<compile_context>
chip_gen: v7x
topology: tpu7x:2x2x1
jax: 0.10.2.dev20260603
libtpu: 0.0.44.dev20260713+nightly
codegen_flags: <defaults>
</compile_context>

<pallas_src>
import jax
import jax.numpy as jnp
from jax import lax
from jax.experimental import pallas as pl
from jax.experimental.pallas import tpu as pltpu
from jax.experimental.pallas import tpu_sc as plsc

M = 100000
D = 128
B = 16384

NC = 2
NS = 16
NW = NC * NS
ROWS_PER_W = M // NW
HALF = M // NC
CPY = 80
N_CPY = HALF // CPY
CH = 64
CAP = 4096
NCH_MAX = CAP // CH
NVEC = B // 16
BOARD = 3136
RING = 5
GPC = 27


def _body(mem_hbm, idx_hbm, val_hbm, memnew_hbm, readback_hbm,
          idxbuf, jflat, tflat, board, jbuf, tbuf, rows2, cbuf,
          sem_cp, sem_out, sem_g, sem_s):
    sc = lax.axis_index("c")
    tile = lax.axis_index("s")
    lo = sc * HALF + tile * ROWS_PER_W
    lane = lax.iota(jnp.int32, 16)
    base = sc * HALF

    def cpy_in(k, buf):
        return pltpu.make_async_copy(
            mem_hbm.at[pl.ds(base + k * CPY, CPY)], cbuf.at[buf], sem_cp)

    def cpy_out(k, buf):
        return pltpu.make_async_copy(
            cbuf.at[buf], memnew_hbm.at[pl.ds(base + k * CPY, CPY)], sem_out)

    my_n = lax.div(N_CPY - tile + NS - 1, NS)

    idx_cp = pltpu.make_async_copy(idx_hbm, idxbuf, sem_g)
    idx_cp.start()

    for r in range(3):
        @pl.when(r < my_n)
        def _():
            cpy_in(tile + r * NS, r).start()

    def init_body(i, _):
        board[pl.ds(i * 16, 16)] = jnp.full((16,), -1, jnp.int32)
        return _

    lax.fori_loop(0, BOARD // 16, init_body, None)
    idx_cp.wait()

    def scan_group(i, count):
        t = idxbuf[pl.ds(i * 16, 16)]
        j = i * 16 + lane
        m = (t >= lo) & (t < lo + ROWS_PER_W)
        off = jnp.minimum(count, CAP - 16)
        plsc.store_compressed(jflat.at[pl.ds(off, 16)], j, mask=m)
        plsc.store_compressed(tflat.at[pl.ds(off, 16)], t, mask=m)
        return count + plsc.all_reduce_population_count(m)[0]

    def merged_body(i, count):
        k = tile + i * NS
        buf = lax.rem(i, RING)
        cpy_in(k, buf).wait()

        @pl.when(i >= 2)
        def _():
            cpy_out(k - 2 * NS, lax.rem(i - 2, RING)).wait()

        @pl.when(i + 3 < my_n)
        def _():
            cpy_in(k + 3 * NS, lax.rem(i + 3, RING)).start()

        cpy_out(k, buf).start()

        g_lo = jnp.minimum(i * GPC, NVEC)
        g_hi = jnp.minimum(g_lo + GPC, NVEC)
        count = plsc.parallel_loop(g_lo, g_hi, unroll=8, carry=count)(
            scan_group)
        return count

    count = lax.fori_loop(0, my_n, merged_body, jnp.int32(0))
    ngrp = lax.div(count + 15, 16)
    nch = lax.div(count + (CH - 1), CH)

    def cas_body(g, _):
        p = g * 16 + lane
        pm = p < count
        tl = jnp.where(pm, tflat[pl.ds(g * 16, 16)] - lo, 0)

        def cas_step(need):
            plsc.store_scatter(board, [tl], p, mask=need)
            cur = plsc.load_gather(board, [tl])
            return pm & (p > cur)

        need0 = pm & (p > plsc.load_gather(board, [tl]))
        lax.while_loop(jnp.any, cas_step, need0)
        return _

    lax.fori_loop(0, ngrp, cas_body, None)

    def fill_body(g, _):
        p = g * 16 + lane
        pm = p < count
        t = tflat[pl.ds(g * 16, 16)]
        j = jflat[pl.ds(g * 16, 16)]
        tl = jnp.where(pm, t - lo, 0)
        w = plsc.load_gather(board, [tl])
        jw = plsc.load_gather(jflat, [jnp.where(pm, w, 0)])
        plsc.store_scatter(idxbuf, [p], jw, mask=pm)
        row = lax.shift_right_logical(p, 6)
        col = lax.bitwise_and(p, 63)
        plsc.store_scatter(tbuf, [row, col], t, mask=pm)
        plsc.store_scatter(jbuf, [row, col], j, mask=pm)
        return _

    lax.fori_loop(0, ngrp, fill_body, None)

    @pl.when((count > 0) & (lax.rem(count, CH) != 0))
    def _():
        for k in range(4):
            pos = count + k * 16 + lane
            pm2 = pos < nch * CH
            src = lax.rem(k * 16 + lane, count)
            srow = lax.shift_right_logical(src, 6)
            scol = lax.bitwise_and(src, 63)
            jsrc = plsc.load_gather(jbuf, [srow, scol])
            tsrc = plsc.load_gather(tbuf, [srow, scol])
            wsrc = plsc.load_gather(idxbuf, [src])
            prow = lax.shift_right_logical(pos, 6)
            pcol = lax.bitwise_and(pos, 63)
            plsc.store_scatter(jbuf, [prow, pcol], jsrc, mask=pm2)
            plsc.store_scatter(tbuf, [prow, pcol], tsrc, mask=pm2)
            plsc.store_scatter(idxbuf, [pos], wsrc, mask=pm2)

    @pl.when(my_n >= 2)
    def _():
        cpy_out(tile + (my_n - 2) * NS, lax.rem(my_n - 2, RING)).wait()

    cpy_out(tile + (my_n - 1) * NS, lax.rem(my_n - 1, RING)).wait()
    plsc.subcore_barrier()

    def gat(c, buf):
        return pltpu.make_async_copy(
            val_hbm.at[idxbuf.at[pl.ds(c * CH, CH)]], rows2.at[buf], sem_g)

    def sca_mem(c, buf):
        return pltpu.make_async_copy(
            rows2.at[buf], memnew_hbm.at[tbuf.at[c]], sem_s)

    def sca_rb(c, buf):
        return pltpu.make_async_copy(
            rows2.at[buf], readback_hbm.at[jbuf.at[c]], sem_s)

    @pl.when(nch > 0)
    def _():
        gat(0, 0).start()

        @pl.when(nch > 1)
        def _():
            gat(1, 1).start()

        def cd_body(c, _):
            buf = lax.rem(c, 4)
            gat(c, buf).wait()

            @pl.when(c >= 2)
            def _():
                sca_mem(c - 2, lax.rem(c - 2, 4)).wait()
                sca_rb(c - 2, lax.rem(c - 2, 4)).wait()

            @pl.when(c < nch - 2)
            def _():
                gat(c + 2, lax.rem(c + 2, 4)).start()

            sca_mem(c, buf).start()
            sca_rb(c, buf).start()
            return _

        lax.fori_loop(0, nch, cd_body, None)

        def drain_body(c, _):
            sca_mem(c, lax.rem(c, 4)).wait()
            sca_rb(c, lax.rem(c, 4)).wait()
            return _

        lax.fori_loop(jnp.maximum(nch - 2, 0), nch, drain_body, None)


@jax.jit
def _run(mem, idx, val):
    mesh = plsc.VectorSubcoreMesh(core_axis_name="c", subcore_axis_name="s")
    f = pl.kernel(
        _body,
        out_type=(
            jax.ShapeDtypeStruct((M, D), jnp.float32),
            jax.ShapeDtypeStruct((B, D), jnp.float32),
        ),
        mesh=mesh,
        compiler_params=pltpu.CompilerParams(needs_layout_passes=False),
        scratch_types=[
            pltpu.VMEM((B,), jnp.int32),
            pltpu.VMEM((CAP + 16,), jnp.int32),
            pltpu.VMEM((CAP + 16,), jnp.int32),
            pltpu.VMEM((BOARD,), jnp.int32),
            pltpu.VMEM((NCH_MAX, CH), jnp.int32),
            pltpu.VMEM((NCH_MAX, CH), jnp.int32),
            pltpu.VMEM((4, CH, D), jnp.float32),
            pltpu.VMEM((RING, CPY, D), jnp.float32),
            pltpu.SemaphoreType.DMA,
            pltpu.SemaphoreType.DMA,
            pltpu.SemaphoreType.DMA,
            pltpu.SemaphoreType.DMA,
        ],
    )
    return f(mem, idx, val)


def kernel(mem, idx, val):
    return _run(mem, idx, val)

# --- scband reference (transcript-rebuilt; emitter-appended) ---
"""Pipeline reference for scband-contras-tr-36962488549919 (READ-ONLY COPY).

The authoritative reference and input builder live on the scoring server;
editing this copy changes nothing except your own understanding.
"""

import jax, jax.numpy as jnp
import numpy as np

M = 100000
D = 128
B = 16384

def setup_inputs(seed: int = 0) -> dict:
    key = jax.random.key(seed)
    k1, k2, k3 = jax.random.split(key, 3)
    mem = jax.random.normal(k1, (M, D), dtype=jnp.float32)
    idx = jax.random.randint(k2, (B,), 0, M, dtype=jnp.int32)
    val = jax.random.normal(k3, (B, D), dtype=jnp.float32)
    return {"mem": mem, "idx": idx, "val": val}

def reference(mem, idx, val):
    # ContrasTR-style embedding memory update (BatchedEmbeddings.add_to_memory):
    # scatter-overwrite new query embeddings into the persistent memory bank
    # at the slots selected by idx, then gather them back for the tracking head.
    mem_new = mem.at[idx].set(val)
    readback = jnp.take(mem_new, idx, axis=0)
    return mem_new, readback

if __name__ == "__main__":
    import jax
    _d = setup_inputs()
    print(jax.jit(kernel)(*tuple(_d.values())))

</pallas_src>

<mosaic_0001>
#map = affine_map<(d0, d1) -> (0, 0)>
#map1 = affine_map<(d0, d1) -> (0)>
module attributes {stable_mosaic.version = 14 : i64} {
  func.func @_body(%arg0: i32, %arg1: i32, %arg2: memref<100000x128xf32, #tpu.memory_space<hbm>>, %arg3: memref<16384xi32, #tpu.memory_space<hbm>>, %arg4: memref<16384x128xf32, #tpu.memory_space<hbm>>, %arg5: memref<100000x128xf32, #tpu.memory_space<hbm>>, %arg6: memref<16384x128xf32, #tpu.memory_space<hbm>>, %arg7: memref<16384xi32, #tpu.memory_space<vmem>>, %arg8: memref<4112xi32, #tpu.memory_space<vmem>>, %arg9: memref<4112xi32, #tpu.memory_space<vmem>>, %arg10: memref<3136xi32, #tpu.memory_space<vmem>>, %arg11: memref<64x64xi32, #tpu.memory_space<vmem>>, %arg12: memref<64x64xi32, #tpu.memory_space<vmem>>, %arg13: memref<4x64x128xf32, #tpu.memory_space<vmem>>, %arg14: memref<5x80x128xf32, #tpu.memory_space<vmem>>, %arg15: memref<!tpu.dma_semaphore, #tpu.memory_space<semaphore_mem>>, %arg16: memref<!tpu.dma_semaphore, #tpu.memory_space<semaphore_mem>>, %arg17: memref<!tpu.dma_semaphore, #tpu.memory_space<semaphore_mem>>, %arg18: memref<!tpu.dma_semaphore, #tpu.memory_space<semaphore_mem>>) attributes {dimension_semantics = [#tpu.dimension_semantics<core_parallel>, #tpu.dimension_semantics<subcore_parallel>], iteration_bounds = array<i64: 2, 16>, scalar_prefetch = 0 : i64, scratch_operands = 12 : i64, tpu.core_type = #tpu.core_type<sc_vector_subcore>, window_params = [{transform_indices = #map}, {transform_indices = #map1}, {transform_indices = #map}, {transform_indices = #map}, {transform_indices = #map}]} {
    %mul3A = arith.constant 50000 : i32
    %mul3A_0 = arith.muli %arg0, %mul3A : i32
    %mul3A_1 = arith.constant 3125 : i32
    %mul3A_2 = arith.muli %arg1, %mul3A_1 : i32
    %add3A = arith.addi %mul3A_0, %mul3A_2 : i32
    %iota3A = tpu.iota {dimensions = array<i32: 0>} : vector<16xi32>
    %mul3A_3 = arith.constant 50000 : i32
    %mul3A_4 = arith.muli %arg0, %mul3A_3 : i32
    %sub3A = arith.constant 625 : i32
    %sub3A_5 = arith.subi %sub3A, %arg1 : i32
    %add3A_6 = arith.constant 16 : i32
    %add3A_7 = arith.addi %sub3A_5, %add3A_6 : i32
    %sub3A_8 = arith.constant 1 : i32
    %sub3A_9 = arith.subi %add3A_7, %sub3A_8 : i32
    %div3A = arith.constant 16 : i32
    %div3A_10 = arith.divsi %sub3A_9, %div3A : i32
    tpu.enqueue_dma source(%arg3 : memref<16384xi32, #tpu.memory_space<hbm>>) target(%arg7 : memref<16384xi32, #tpu.memory_space<vmem>>) target_semaphore(%arg17 : memref<!tpu.dma_semaphore, #tpu.memory_space<semaphore_mem>>)
    %gt3A = arith.constant 0 : i32
    %gt3A_11 = arith.cmpi sgt, %div3A_10, %gt3A : i32
    %convert_element_type3A = arith.extui %gt3A_11 : i1 to i32
    %cond3A = arith.constant 0 : i32
    %cond3A_12 = arith.cmpi ne, %convert_element_type3A, %cond3A : i32
    scf.if %cond3A_12 {
      %add3A_103 = arith.constant 0 : i32
      %add3A_104 = arith.addi %arg1, %add3A_103 : i32
      %mul3A_105 = arith.constant 80 : i32
      %mul3A_106 = arith.muli %add3A_104, %mul3A_105 : i32
      %add3A_107 = arith.addi %mul3A_4, %mul3A_106 : i32
      %dma_start3A = arith.constant 0 : i32
      %dma_start3A_108 = arith.constant 0 : i32
      %dma_start3A_109 = arith.constant 0 : i32
      %dma_start3A_110 = tpu.memref_slice %arg14[%dma_start3A, %dma_start3A_108, %dma_start3A_109] : memref<5x80x128xf32, #tpu.memory_space<vmem>> -> memref<1x80x128xf32, #tpu.memory_space<vmem>>
      %dma_start3A_111 = tpu.memref_squeeze %dma_start3A_110 : memref<1x80x128xf32, #tpu.memory_space<vmem>> -> memref<80x128xf32, #tpu.memory_space<vmem>>
      %dma_start3A_112 = arith.constant 0 : i32
      %dma_start3A_113 = tpu.memref_slice %arg2[%add3A_107, %dma_start3A_112] : memref<100000x128xf32, #tpu.memory_space<hbm>> -> memref<80x128xf32, #tpu.memory_space<hbm>>
      %dma_start3A_114 = arith.constant 0 : i32
      %dma_start3A_115 = arith.constant 0 : i32
      %dma_start3A_116 = tpu.memref_slice %arg14[%dma_start3A, %dma_start3A_114, %dma_start3A_115] : memref<5x80x128xf32, #tpu.memory_space<vmem>> -> memref<1x80x128xf32, #tpu.memory_space<vmem>>
      %dma_start3A_117 = tpu.memref_squeeze %dma_start3A_116 : memref<1x80x128xf32, #tpu.memory_space<vmem>> -> memref<80x128xf32, #tpu.memory_space<vmem>>
      %dma_start3A_118 = arith.constant 0 : i32
      %dma_start3A_119 = tpu.memref_slice %arg2[%add3A_107, %dma_start3A_118] : memref<100000x128xf32, #tpu.memory_space<hbm>> -> memref<80x128xf32, #tpu.memory_space<hbm>>
      tpu.enqueue_dma source(%dma_start3A_119 : memref<80x128xf32, #tpu.memory_space<hbm>>) target(%dma_start3A_117 : memref<80x128xf32, #tpu.memory_space<vmem>>) target_semaphore(%arg15 : memref<!tpu.dma_semaphore, #tpu.memory_space<semaphore_mem>>)
    } else {
    }
    %gt3A_13 = arith.constant 1 : i32
    %gt3A_14 = arith.cmpi sgt, %div3A_10, %gt3A_13 : i32
    %convert_element_type3A_15 = arith.extui %gt3A_14 : i1 to i32
    %cond3A_16 = arith.constant 0 : i32
    %cond3A_17 = arith.cmpi ne, %convert_element_type3A_15, %cond3A_16 : i32
    scf.if %cond3A_17 {
      %add3A_103 = arith.constant 16 : i32
      %add3A_104 = arith.addi %arg1, %add3A_103 : i32
      %mul3A_105 = arith.constant 80 : i32
      %mul3A_106 = arith.muli %add3A_104, %mul3A_105 : i32
      %add3A_107 = arith.addi %mul3A_4, %mul3A_106 : i32
      %dma_start3A = arith.constant 1 : i32
      %dma_start3A_108 = arith.constant 0 : i32
      %dma_start3A_109 = arith.constant 0 : i32
      %dma_start3A_110 = tpu.memref_slice %arg14[%dma_start3A, %dma_start3A_108, %dma_start3A_109] : memref<5x80x128xf32, #tpu.memory_space<vmem>> -> memref<1x80x128xf32, #tpu.memory_space<vmem>>
      %dma_start3A_111 = tpu.memref_squeeze %dma_start3A_110 : memref<1x80x128xf32, #tpu.memory_space<vmem>> -> memref<80x128xf32, #tpu.memory_space<vmem>>
      %dma_start3A_112 = arith.constant 0 : i32
      %dma_start3A_113 = tpu.memref_slice %arg2[%add3A_107, %dma_start3A_112] : memref<100000x128xf32, #tpu.memory_space<hbm>> -> memref<80x128xf32, #tpu.memory_space<hbm>>
      %dma_start3A_114 = arith.constant 0 : i32
      %dma_start3A_115 = arith.constant 0 : i32
      %dma_start3A_116 = tpu.memref_slice %arg14[%dma_start3A, %dma_start3A_114, %dma_start3A_115] : memref<5x80x128xf32, #tpu.memory_space<vmem>> -> memref<1x80x128xf32, #tpu.memory_space<vmem>>
      %dma_start3A_117 = tpu.memref_squeeze %dma_start3A_116 : memref<1x80x128xf32, #tpu.memory_space<vmem>> -> memref<80x128xf32, #tpu.memory_space<vmem>>
      %dma_start3A_118 = arith.constant 0 : i32
      %dma_start3A_119 = tpu.memref_slice %arg2[%add3A_107, %dma_start3A_118] : memref<100000x128xf32, #tpu.memory_space<hbm>> -> memref<80x128xf32, #tpu.memory_space<hbm>>
      tpu.enqueue_dma source(%dma_start3A_119 : memref<80x128xf32, #tpu.memory_space<hbm>>) target(%dma_start3A_117 : memref<80x128xf32, #tpu.memory_space<vmem>>) target_semaphore(%arg15 : memref<!tpu.dma_semaphore, #tpu.memory_space<semaphore_mem>>)
    } else {
    }
    %gt3A_18 = arith.constant 2 : i32
    %gt3A_19 = arith.cmpi sgt, %div3A_10, %gt3A_18 : i32
    %convert_element_type3A_20 = arith.extui %gt3A_19 : i1 to i32
    %cond3A_21 = arith.constant 0 : i32
    %cond3A_22 = arith.cmpi ne, %convert_element_type3A_20, %cond3A_21 : i32
    scf.if %cond3A_22 {
      %add3A_103 = arith.constant 32 : i32
      %add3A_104 = arith.addi %arg1, %add3A_103 : i32
      %mul3A_105 = arith.constant 80 : i32
      %mul3A_106 = arith.muli %add3A_104, %mul3A_105 : i32
      %add3A_107 = arith.addi %mul3A_4, %mul3A_106 : i32
      %dma_start3A = arith.constant 2 : i32
      %dma_start3A_108 = arith.constant 0 : i32
      %dma_start3A_109 = arith.constant 0 : i32
      %dma_start3A_110 = tpu.memref_slice %arg14[%dma_start3A, %dma_start3A_108, %dma_start3A_109] : memref<5x80x128xf32, #tpu.memory_space<vmem>> -> memref<1x80x128xf32, #tpu.memory_space<vmem>>
      %dma_start3A_111 = tpu.memref_squeeze %dma_start3A_110 : memref<1x80x128xf32, #tpu.memory_space<vmem>> -> memref<80x128xf32, #tpu.memory_space<vmem>>
      %dma_start3A_112 = arith.constant 0 : i32
      %dma_start3A_113 = tpu.memref_slice %arg2[%add3A_107, %dma_start3A_112] : memref<100000x128xf32, #tpu.memory_space<hbm>> -> memref<80x128xf32, #tpu.memory_space<hbm>>
      %dma_start3A_114 = arith.constant 0 : i32
      %dma_start3A_115 = arith.constant 0 : i32
      %dma_start3A_116 = tpu.memref_slice %arg14[%dma_start3A, %dma_start3A_114, %dma_start3A_115] : memref<5x80x128xf32, #tpu.memory_space<vmem>> -> memref<1x80x128xf32, #tpu.memory_space<vmem>>
      %dma_start3A_117 = tpu.memref_squeeze %dma_start3A_116 : memref<1x80x128xf32, #tpu.memory_space<vmem>> -> memref<80x128xf32, #tpu.memory_space<vmem>>
      %dma_start3A_118 = arith.constant 0 : i32
      %dma_start3A_119 = tpu.memref_slice %arg2[%add3A_107, %dma_start3A_118] : memref<100000x128xf32, #tpu.memory_space<hbm>> -> memref<80x128xf32, #tpu.memory_space<hbm>>
      tpu.enqueue_dma source(%dma_start3A_119 : memref<80x128xf32, #tpu.memory_space<hbm>>) target(%dma_start3A_117 : memref<80x128xf32, #tpu.memory_space<vmem>>) target_semaphore(%arg15 : memref<!tpu.dma_semaphore, #tpu.memory_space<semaphore_mem>>)
    } else {
    }
    %scan3A = arith.constant 0 : i32
    %scan3A_23 = arith.constant 196 : i32
    %scan3A_24 = arith.addi %scan3A, %scan3A_23 : i32
    %scan3A_25 = arith.constant 1 : i32
    scf.for %scan3A_103 = %scan3A to %scan3A_24 step %scan3A_25  : i32 {
      %broadcast_in_dim3A = arith.constant -1 : i32
      %broadcast_in_dim3A_104 = vector.broadcast %broadcast_in_dim3A : i32 to vector<16xi32>
      %mul3A_105 = arith.constant 16 : i32
      %mul3A_106 = arith.muli %scan3A_103, %mul3A_105 : i32
      %swap3A = arith.index_cast %mul3A_106 : i32 to index
      %swap3A_107 = tpu.vector_load %arg10[%swap3A] {strides = array<i32>} : memref<3136xi32, #tpu.memory_space<vmem>>, vector<16xi32>,
      tpu.vector_store %arg10[%swap3A], %broadcast_in_dim3A_104 {strides = array<i32>} : memref<3136xi32, #tpu.memory_space<vmem>>, vector<16xi32>,
    }
    %scan3A_26 = arith.constant 196 : i32
    tpu.wait_dma2 semaphore(%arg17 : memref<!tpu.dma_semaphore, #tpu.memory_space<semaphore_mem>>) src(%arg3 : memref<16384xi32, #tpu.memory_space<hbm>>) dst(%arg7 : memref<16384xi32, #tpu.memory_space<vmem>>)
    %while3A = arith.constant 0 : i32
    %while3A_27 = arith.constant 0 : i32
    %while3A_28 = arith.subi %div3A_10, %while3A : i32
    %while3A_29 = arith.addi %while3A, %while3A_28 : i32
    %while3A_30 = arith.constant 1 : i32
    %while3A_31 = arith.divsi %while3A_28, %while3A_30 : i32
    %while3A_32 = arith.muli %while3A_31, %while3A_30 : i32
    %while3A_33 = arith.addi %while3A, %while3A_32 : i32
    %while3A_34 = arith.constant 1 : i32
    %while3A_35 = scf.for %while3A_103 = %while3A to %while3A_33 step %while3A_34 iter_args(%while3A_104 = %while3A_27) -> (i32)  : i32 {
      %mul3A_105 = arith.constant 16 : i32
      %mul3A_106 = arith.muli %while3A_103, %mul3A_105 : i32
      %add3A_107 = arith.addi %arg1, %mul3A_106 : i32
      %rem3A_108 = arith.constant 5 : i32
      %rem3A_109 = arith.remsi %while3A_103, %rem3A_108 : i32
      %mul3A_110 = arith.constant 80 : i32
      %mul3A_111 = arith.muli %add3A_107, %mul3A_110 : i32
      %add3A_112 = arith.addi %mul3A_4, %mul3A_111 : i32
      %dma_wait3A_113 = arith.constant 0 : i32
      %dma_wait3A_114 = arith.constant 0 : i32
      %dma_wait3A_115 = tpu.memref_slice %arg14[%rem3A_109, %dma_wait3A_113, %dma_wait3A_114] : memref<5x80x128xf32, #tpu.memory_space<vmem>> -> memref<1x80x128xf32, #tpu.memory_space<vmem>>
      %dma_wait3A_116 = tpu.memref_squeeze %dma_wait3A_115 : memref<1x80x128xf32, #tpu.memory_space<vmem>> -> memref<80x128xf32, #tpu.memory_space<vmem>>
      %dma_wait3A_117 = arith.constant 0 : i32
      %dma_wait3A_118 = tpu.memref_slice %arg2[%add3A_112, %dma_wait3A_117] : memref<100000x128xf32, #tpu.memory_space<hbm>> -> memref<80x128xf32, #tpu.memory_space<hbm>>
      %dma_wait3A_119 = arith.constant 0 : i32
      %dma_wait3A_120 = arith.constant 0 : i32
      %dma_wait3A_121 = tpu.memref_slice %arg14[%rem3A_109, %dma_wait3A_119, %dma_wait3A_120] : memref<5x80x128xf32, #tpu.memory_space<vmem>> -> memref<1x80x128xf32, #tpu.memory_space<vmem>>
      %dma_wait3A_122 = tpu.memref_squeeze %dma_wait3A_121 : memref<1x80x128xf32, #tpu.memory_space<vmem>> -> memref<80x128xf32, #tpu.memory_space<vmem>>
      %dma_wait3A_123 = arith.constant 0 : i32
      %dma_wait3A_124 = tpu.memref_slice %arg2[%add3A_112, %dma_wait3A_123] : memref<100000x128xf32, #tpu.memory_space<hbm>> -> memref<80x128xf32, #tpu.memory_space<hbm>>
      tpu.wait_dma2 semaphore(%arg15 : memref<!tpu.dma_semaphore, #tpu.memory_space<semaphore_mem>>) src(%dma_wait3A_124 : memref<80x128xf32, #tpu.memory_space<hbm>>) dst(%dma_wait3A_122 : memref<80x128xf32, #tpu.memory_space<vmem>>)
      %ge3A_125 = arith.constant 2 : i32
      %ge3A_126 = arith.cmpi sge, %while3A_103, %ge3A_125 : i32
      %convert_element_type3A_127 = arith.extui %ge3A_126 : i1 to i32
      %cond3A_128 = arith.constant 0 : i32
      %cond3A_129 = arith.cmpi ne, %convert_element_type3A_127, %cond3A_128 : i32
      scf.if %cond3A_129 {
        %sub3A_157 = arith.constant 32 : i32
        %sub3A_158 = arith.subi %add3A_107, %sub3A_157 : i32
        %sub3A_159 = arith.constant 2 : i32
        %sub3A_160 = arith.subi %while3A_103, %sub3A_159 : i32
        %rem3A_161 = arith.constant 5 : i32
        %rem3A_162 = arith.remsi %sub3A_160, %rem3A_161 : i32
        %mul3A_163 = arith.constant 80 : i32
        %mul3A_164 = arith.muli %sub3A_158, %mul3A_163 : i32
        %add3A_165 = arith.addi %mul3A_4, %mul3A_164 : i32
        %dma_wait3A_166 = arith.constant 0 : i32
        %dma_wait3A_167 = arith.constant 0 : i32
        %dma_wait3A_168 = tpu.memref_slice %arg14[%rem3A_162, %dma_wait3A_166, %dma_wait3A_167] : memref<5x80x128xf32, #tpu.memory_space<vmem>> -> memref<1x80x128xf32, #tpu.memory_space<vmem>>
        %dma_wait3A_169 = tpu.memref_squeeze %dma_wait3A_168 : memref<1x80x128xf32, #tpu.memory_space<vmem>> -> memref<80x128xf32, #tpu.memory_space<vmem>>
        %dma_wait3A_170 = arith.constant 0 : i32
        %dma_wait3A_171 = tpu.memref_slice %arg5[%add3A_165, %dma_wait3A_170] : memref<100000x128xf32, #tpu.memory_space<hbm>> -> memref<80x128xf32, #tpu.memory_space<hbm>>
        %dma_wait3A_172 = arith.constant 0 : i32
        %dma_wait3A_173 = tpu.memref_slice %arg5[%add3A_165, %dma_wait3A_172] : memref<100000x128xf32, #tpu.memory_space<hbm>> -> memref<80x128xf32, #tpu.memory_space<hbm>>
        %dma_wait3A_174 = arith.constant 0 : i32
        %dma_wait3A_175 = arith.constant 0 : i32
        %dma_wait3A_176 = tpu.memref_slice %arg14[%rem3A_162, %dma_wait3A_174, %dma_wait3A_175] : memref<5x80x128xf32, #tpu.memory_space<vmem>> -> memref<1x80x128xf32, #tpu.memory_space<vmem>>
        %dma_wait3A_177 = tpu.memref_squeeze %dma_wait3A_176 : memref<1x80x128xf32, #tpu.memory_space<vmem>> -> memref<80x128xf32, #tpu.memory_space<vmem>>
        tpu.wait_dma2 semaphore(%arg16 : memref<!tpu.dma_semaphore, #tpu.memory_space<semaphore_mem>>) src(%dma_wait3A_177 : memref<80x128xf32, #tpu.memory_space<vmem>>) dst(%dma_wait3A_173 : memref<80x128xf32, #tpu.memory_space<hbm>>)
      } else {
      }
      %add3A_130 = arith.constant 3 : i32
      %add3A_131 = arith.addi %while3A_103, %add3A_130 : i32
      %lt3A = arith.cmpi slt, %add3A_131, %div3A_10 : i32
      %convert_element_type3A_132 = arith.extui %lt3A : i1 to i32
      %cond3A_133 = arith.constant 0 : i32
      %cond3A_134 = arith.cmpi ne, %convert_element_type3A_132, %cond3A_133 : i32
      scf.if %cond3A_134 {
        %add3A_157 = arith.constant 48 : i32
        %add3A_158 = arith.addi %add3A_107, %add3A_157 : i32
        %add3A_159 = arith.constant 3 : i32
        %add3A_160 = arith.addi %while3A_103, %add3A_159 : i32
        %rem3A_161 = arith.constant 5 : i32
        %rem3A_162 = arith.remsi %add3A_160, %rem3A_161 : i32
        %mul3A_163 = arith.constant 80 : i32
        %mul3A_164 = arith.muli %add3A_158, %mul3A_163 : i32
        %add3A_165 = arith.addi %mul3A_4, %mul3A_164 : i32
        %dma_start3A_166 = arith.constant 0 : i32
        %dma_start3A_167 = arith.constant 0 : i32
        %dma_start3A_168 = tpu.memref_slice %arg14[%rem3A_162, %dma_start3A_166, %dma_start3A_167] : memref<5x80x128xf32, #tpu.memory_space<vmem>> -> memref<1x80x128xf32, #tpu.memory_space<vmem>>
        %dma_start3A_169 = tpu.memref_squeeze %dma_start3A_168 : memref<1x80x128xf32, #tpu.memory_space<vmem>> -> memref<80x128xf32, #tpu.memory_space<vmem>>
        %dma_start3A_170 = arith.constant 0 : i32
        %dma_start3A_171 = tpu.memref_slice %arg2[%add3A_165, %dma_start3A_170] : memref<100000x128xf32, #tpu.memory_space<hbm>> -> memref<80x128xf32, #tpu.memory_space<hbm>>
        %dma_start3A_172 = arith.constant 0 : i32
        %dma_start3A_173 = arith.constant 0 : i32
        %dma_start3A_174 = tpu.memref_slice %arg14[%rem3A_162, %dma_start3A_172, %dma_start3A_173] : memref<5x80x128xf32, #tpu.memory_space<vmem>> -> memref<1x80x128xf32, #tpu.memory_space<vmem>>
        %dma_start3A_175 = tpu.memref_squeeze %dma_start3A_174 : memref<1x80x128xf32, #tpu.memory_space<vmem>> -> memref<80x128xf32, #tpu.memory_space<vmem>>
        %dma_start3A_176 = arith.constant 0 : i32
        %dma_start3A_177 = tpu.memref_slice %arg2[%add3A_165, %dma_start3A_176] : memref<100000x128xf32, #tpu.memory_space<hbm>> -> memref<80x128xf32, #tpu.memory_space<hbm>>
        tpu.enqueue_dma source(%dma_start3A_177 : memref<80x128xf32, #tpu.memory_space<hbm>>) target(%dma_start3A_175 : memref<80x128xf32, #tpu.memory_space<vmem>>) target_semaphore(%arg15 : memref<!tpu.dma_semaphore, #tpu.memory_space<semaphore_mem>>)
      } else {
      }
      %mul3A_135 = arith.constant 80 : i32
      %mul3A_136 = arith.muli %add3A_107, %mul3A_135 : i32
      %add3A_137 = arith.addi %mul3A_4, %mul3A_136 : i32
      %dma_start3A = arith.constant 0 : i32
      %dma_start3A_138 = arith.constant 0 : i32
      %dma_start3A_139 = tpu.memref_slice %arg14[%rem3A_109, %dma_start3A, %dma_start3A_138] : memref<5x80x128xf32, #tpu.memory_space<vmem>> -> memref<1x80x128xf32, #tpu.memory_space<vmem>>
      %dma_start3A_140 = tpu.memref_squeeze %dma_start3A_139 : memref<1x80x128xf32, #tpu.memory_space<vmem>> -> memref<80x128xf32, #tpu.memory_space<vmem>>
      %dma_start3A_141 = arith.constant 0 : i32
      %dma_start3A_142 = tpu.memref_slice %arg5[%add3A_137, %dma_start3A_141] : memref<100000x128xf32, #tpu.memory_space<hbm>> -> memref<80x128xf32, #tpu.memory_space<hbm>>
      %dma_start3A_143 = arith.constant 0 : i32
      %dma_start3A_144 = tpu.memref_slice %arg5[%add3A_137, %dma_start3A_143] : memref<100000x128xf32, #tpu.memory_space<hbm>> -> memref<80x128xf32, #tpu.memory_space<hbm>>
      %dma_start3A_145 = arith.constant 0 : i32
      %dma_start3A_146 = arith.constant 0 : i32
      %dma_start3A_147 = tpu.memref_slice %arg14[%rem3A_109, %dma_start3A_145, %dma_start3A_146] : memref<5x80x128xf32, #tpu.memory_space<vmem>> -> memref<1x80x128xf32, #tpu.memory_space<vmem>>
      %dma_start3A_148 = tpu.memref_squeeze %dma_start3A_147 : memref<1x80x128xf32, #tpu.memory_space<vmem>> -> memref<80x128xf32, #tpu.memory_space<vmem>>
      tpu.enqueue_dma source(%dma_start3A_148 : memref<80x128xf32, #tpu.memory_space<vmem>>) target(%dma_start3A_144 : memref<80x128xf32, #tpu.memory_space<hbm>>) target_semaphore(%arg16 : memref<!tpu.dma_semaphore, #tpu.memory_space<semaphore_mem>>)
      %mul3A_149 = arith.constant 27 : i32
      %mul3A_150 = arith.muli %while3A_103, %mul3A_149 : i32
      %min3A = arith.constant 1024 : i32
      %min3A_151 = arith.minsi %mul3A_150, %min3A : i32
      %add3A_152 = arith.constant 27 : i32
      %add3A_153 = arith.addi %min3A_151, %add3A_152 : i32
      %min3A_154 = arith.constant 1024 : i32
      %min3A_155 = arith.minsi %add3A_153, %min3A_154 : i32
      %parallel_loop3A = arith.constant 1 : i32
      %parallel_loop3A_156 = scf.for %parallel_loop3A_157 = %min3A_151 to %min3A_155 step %parallel_loop3A iter_args(%parallel_loop3A_158 = %while3A_104) -> (i32)  : i32 {
        %parallel_loop3A_159 = arith.constant 16 : i32
        %parallel_loop3A_160 = arith.muli %parallel_loop3A_157, %parallel_loop3A_159 : i32
        %parallel_loop3A_161 = arith.index_cast %parallel_loop3A_160 : i32 to index
        %parallel_loop3A_162 = tpu.vector_load %arg7[%parallel_loop3A_161] {strides = array<i32>} : memref<16384xi32, #tpu.memory_space<vmem>>, vector<16xi32>,
        %parallel_loop3A_163 = arith.constant 16 : i32
        %parallel_loop3A_164 = arith.muli %parallel_loop3A_157, %parallel_loop3A_163 : i32
        %parallel_loop3A_165 = vector.broadcast %parallel_loop3A_164 : i32 to vector<16xi32>
        %parallel_loop3A_166 = arith.addi %parallel_loop3A_165, %iota3A : vector<16xi32>
        %parallel_loop3A_167 = vector.broadcast %add3A : i32 to vector<16xi32>
        %parallel_loop3A_168 = arith.cmpi sge, %parallel_loop3A_162, %parallel_loop3A_167 : vector<16xi32>
        %parallel_loop3A_169 = arith.constant 3125 : i32
        %parallel_loop3A_170 = arith.addi %add3A, %parallel_loop3A_169 : i32
        %parallel_loop3A_171 = vector.broadcast %parallel_loop3A_170 : i32 to vector<16xi32>
        %parallel_loop3A_172 = arith.cmpi slt, %parallel_loop3A_162, %parallel_loop3A_171 : vector<16xi32>
        %parallel_loop3A_173 = arith.andi %parallel_loop3A_168, %parallel_loop3A_172 : vector<16xi1>
        %parallel_loop3A_174 = arith.constant 4080 : i32
        %parallel_loop3A_175 = arith.minsi %parallel_loop3A_158, %parallel_loop3A_174 : i32
        %parallel_loop3A_176 = arith.index_cast %parallel_loop3A_175 : i32 to index
        %parallel_loop3A_177 = tpu.vector_load %arg8[%parallel_loop3A_176] masked %parallel_loop3A_173 {strides = array<i32>} : memref<4112xi32, #tpu.memory_space<vmem>>, vector<16xi32>, vector<16xi1>
        tpu.vector_store %arg8[%parallel_loop3A_176], %parallel_loop3A_166 masked %parallel_loop3A_173 {strides = array<i32>} : memref<4112xi32, #tpu.memory_space<vmem>>, vector<16xi32>, vector<16xi1>
        %parallel_loop3A_178 = arith.index_cast %parallel_loop3A_175 : i32 to index
        %parallel_loop3A_179 = tpu.vector_load %arg9[%parallel_loop3A_178] masked %parallel_loop3A_173 {strides = array<i32>} : memref<4112xi32, #tpu.memory_space<vmem>>, vector<16xi32>, vector<16xi1>
        tpu.vector_store %arg9[%parallel_loop3A_178], %parallel_loop3A_162 masked %parallel_loop3A_173 {strides = array<i32>} : memref<4112xi32, #tpu.memory_space<vmem>>, vector<16xi32>, vector<16xi1>
        %parallel_loop3A_180 = tpu.all_reduce %parallel_loop3A_173 {dim = 0 : i64, kind = #tpu.reduction_kind<sum>} : vector<16xi1> -> vector<16xi32>
        %parallel_loop3A_181 = vector.extract_strided_slice %parallel_loop3A_180 {offsets = [0], sizes = [1], strides = [1]} : vector<16xi32> to vector<1xi32>
        %parallel_loop3A_182 = vector.extract %parallel_loop3A_181[0] : i32 from vector<1xi32>
        %parallel_loop3A_183 = arith.addi %parallel_loop3A_158, %parallel_loop3A_182 : i32
        scf.yield %parallel_loop3A_183 : i32
      } {sc.loop_unroll_factor = 8 : i64, sc.parallel_access}
      scf.yield %parallel_loop3A_156 : i32
    }
    %while3A_36 = arith.constant 1 : i32
    %while3A_37 = scf.for %while3A_103 = %while3A_33 to %while3A_29 step %while3A_36 iter_args(%while3A_104 = %while3A_35) -> (i32)  : i32 {
      %mul3A_105 = arith.constant 16 : i32
      %mul3A_106 = arith.muli %while3A_103, %mul3A_105 : i32
      %add3A_107 = arith.addi %arg1, %mul3A_106 : i32
      %rem3A_108 = arith.constant 5 : i32
      %rem3A_109 = arith.remsi %while3A_103, %rem3A_108 : i32
      %mul3A_110 = arith.constant 80 : i32
      %mul3A_111 = arith.muli %add3A_107, %mul3A_110 : i32
      %add3A_112 = arith.addi %mul3A_4, %mul3A_111 : i32
      %dma_wait3A_113 = arith.constant 0 : i32
      %dma_wait3A_114 = arith.constant 0 : i32
      %dma_wait3A_115 = tpu.memref_slice %arg14[%rem3A_109, %dma_wait3A_113, %dma_wait3A_114] : memref<5x80x128xf32, #tpu.memory_space<vmem>> -> memref<1x80x128xf32, #tpu.memory_space<vmem>>
      %dma_wait3A_116 = tpu.memref_squeeze %dma_wait3A_115 : memref<1x80x128xf32, #tpu.memory_space<vmem>> -> memref<80x128xf32, #tpu.memory_space<vmem>>
      %dma_wait3A_117 = arith.constant 0 : i32
      %dma_wait3A_118 = tpu.memref_slice %arg2[%add3A_112, %dma_wait3A_117] : memref<100000x128xf32, #tpu.memory_space<hbm>> -> memref<80x128xf32, #tpu.memory_space<hbm>>
      %dma_wait3A_119 = arith.constant 0 : i32
      %dma_wait3A_120 = arith.constant 0 : i32
      %dma_wait3A_121 = tpu.memref_slice %arg14[%rem3A_109, %dma_wait3A_119, %dma_wait3A_120] : memref<5x80x128xf32, #tpu.memory_space<vmem>> -> memref<1x80x128xf32, #tpu.memory_space<vmem>>
      %dma_wait3A_122 = tpu.memref_squeeze %dma_wait3A_121 : memref<1x80x128xf32, #tpu.memory_space<vmem>> -> memref<80x128xf32, #tpu.memory_space<vmem>>
      %dma_wait3A_123 = arith.constant 0 : i32
      %dma_wait3A_124 = tpu.memref_slice %arg2[%add3A_112, %dma_wait3A_123] : memref<100000x128xf32, #tpu.memory_space<hbm>> -> memref<80x128xf32, #tpu.memory_space<hbm>>
      tpu.wait_dma2 semaphore(%arg15 : memref<!tpu.dma_semaphore, #tpu.memory_space<semaphore_mem>>) src(%dma_wait3A_124 : memref<80x128xf32, #tpu.memory_space<hbm>>) dst(%dma_wait3A_122 : memref<80x128xf32, #tpu.memory_space<vmem>>)
      %ge3A_125 = arith.constant 2 : i32
      %ge3A_126 = arith.cmpi sge, %while3A_103, %ge3A_125 : i32
      %convert_element_type3A_127 = arith.extui %ge3A_126 : i1 to i32
      %cond3A_128 = arith.constant 0 : i32
      %cond3A_129 = arith.cmpi ne, %convert_element_type3A_127, %cond3A_128 : i32
      scf.if %cond3A_129 {
        %sub3A_157 = arith.constant 32 : i32
        %sub3A_158 = arith.subi %add3A_107, %sub3A_157 : i32
        %sub3A_159 = arith.constant 2 : i32
        %sub3A_160 = arith.subi %while3A_103, %sub3A_159 : i32
        %rem3A_161 = arith.constant 5 : i32
        %rem3A_162 = arith.remsi %sub3A_160, %rem3A_161 : i32
        %mul3A_163 = arith.constant 80 : i32
        %mul3A_164 = arith.muli %sub3A_158, %mul3A_163 : i32
        %add3A_165 = arith.addi %mul3A_4, %mul3A_164 : i32
        %dma_wait3A_166 = arith.constant 0 : i32
        %dma_wait3A_167 = arith.constant 0 : i32
        %dma_wait3A_168 = tpu.memref_slice %arg14[%rem3A_162, %dma_wait3A_166, %dma_wait3A_167] : memref<5x80x128xf32, #tpu.memory_space<vmem>> -> memref<1x80x128xf32, #tpu.memory_space<vmem>>
        %dma_wait3A_169 = tpu.memref_squeeze %dma_wait3A_168 : memref<1x80x128xf32, #tpu.memory_space<vmem>> -> memref<80x128xf32, #tpu.memory_space<vmem>>
        %dma_wait3A_170 = arith.constant 0 : i32
        %dma_wait3A_171 = tpu.memref_slice %arg5[%add3A_165, %dma_wait3A_170] : memref<100000x128xf32, #tpu.memory_space<hbm>> -> memref<80x128xf32, #tpu.memory_space<hbm>>
        %dma_wait3A_172 = arith.constant 0 : i32
        %dma_wait3A_173 = tpu.memref_slice %arg5[%add3A_165, %dma_wait3A_172] : memref<100000x128xf32, #tpu.memory_space<hbm>> -> memref<80x128xf32, #tpu.memory_space<hbm>>
        %dma_wait3A_174 = arith.constant 0 : i32
        %dma_wait3A_175 = arith.constant 0 : i32
        %dma_wait3A_176 = tpu.memref_slice %arg14[%rem3A_162, %dma_wait3A_174, %dma_wait3A_175] : memref<5x80x128xf32, #tpu.memory_space<vmem>> -> memref<1x80x128xf32, #tpu.memory_space<vmem>>
        %dma_wait3A_177 = tpu.memref_squeeze %dma_wait3A_176 : memref<1x80x128xf32, #tpu.memory_space<vmem>> -> memref<80x128xf32, #tpu.memory_space<vmem>>
        tpu.wait_dma2 semaphore(%arg16 : memref<!tpu.dma_semaphore, #tpu.memory_space<semaphore_mem>>) src(%dma_wait3A_177 : memref<80x128xf32, #tpu.memory_space<vmem>>) dst(%dma_wait3A_173 : memref<80x128xf32, #tpu.memory_space<hbm>>)
      } else {
      }
      %add3A_130 = arith.constant 3 : i32
      %add3A_131 = arith.addi %while3A_103, %add3A_130 : i32
      %lt3A = arith.cmpi slt, %add3A_131, %div3A_10 : i32
      %convert_element_type3A_132 = arith.extui %lt3A : i1 to i32
      %cond3A_133 = arith.constant 0 : i32
      %cond3A_134 = arith.cmpi ne, %convert_element_type3A_132, %cond3A_133 : i32
      scf.if %cond3A_134 {
        %add3A_157 = arith.constant 48 : i32
        %add3A_158 = arith.addi %add3A_107, %add3A_157 : i32
        %add3A_159 = arith.constant 3 : i32
        %add3A_160 = arith.addi %while3A_103, %add3A_159 : i32
        %rem3A_161 = arith.constant 5 : i32
        %rem3A_162 = arith.remsi %add3A_160, %rem3A_161 : i32
        %mul3A_163 = arith.constant 80 : i32
        %mul3A_164 = arith.muli %add3A_158, %mul3A_163 : i32
        %add3A_165 = arith.addi %mul3A_4, %mul3A_164 : i32
        %dma_start3A_166 = arith.constant 0 : i32
        %dma_start3A_167 = arith.constant 0 : i32
        %dma_start3A_168 = tpu.memref_slice %arg14[%rem3A_162, %dma_start3A_166, %dma_start3A_167] : memref<5x80x128xf32, #tpu.memory_space<vmem>> -> memref<1x80x128xf32, #tpu.memory_space<vmem>>
        %dma_start3A_169 = tpu.memref_squeeze %dma_start3A_168 : memref<1x80x128xf32, #tpu.memory_space<vmem>> -> memref<80x128xf32, #tpu.memory_space<vmem>>
        %dma_start3A_170 = arith.constant 0 : i32
        %dma_start3A_171 = tpu.memref_slice %arg2[%add3A_165, %dma_start3A_170] : memref<100000x128xf32, #tpu.memory_space<hbm>> -> memref<80x128xf32, #tpu.memory_space<hbm>>
        %dma_start3A_172 = arith.constant 0 : i32
        %dma_start3A_173 = arith.constant 0 : i32
        %dma_start3A_174 = tpu.memref_slice %arg14[%rem3A_162, %dma_start3A_172, %dma_start3A_173] : memref<5x80x128xf32, #tpu.memory_space<vmem>> -> memref<1x80x128xf32, #tpu.memory_space<vmem>>
        %dma_start3A_175 = tpu.memref_squeeze %dma_start3A_174 : memref<1x80x128xf32, #tpu.memory_space<vmem>> -> memref<80x128xf32, #tpu.memory_space<vmem>>
        %dma_start3A_176 = arith.constant 0 : i32
        %dma_start3A_177 = tpu.memref_slice %arg2[%add3A_165, %dma_start3A_176] : memref<100000x128xf32, #tpu.memory_space<hbm>> -> memref<80x128xf32, #tpu.memory_space<hbm>>
        tpu.enqueue_dma source(%dma_start3A_177 : memref<80x128xf32, #tpu.memory_space<hbm>>) target(%dma_start3A_175 : memref<80x128xf32, #tpu.memory_space<vmem>>) target_semaphore(%arg15 : memref<!tpu.dma_semaphore, #tpu.memory_space<semaphore_mem>>)
      } else {
      }
      %mul3A_135 = arith.constant 80 : i32
      %mul3A_136 = arith.muli %add3A_107, %mul3A_135 : i32
      %add3A_137 = arith.addi %mul3A_4, %mul3A_136 : i32
      %dma_start3A = arith.constant 0 : i32
      %dma_start3A_138 = arith.constant 0 : i32
      %dma_start3A_139 = tpu.memref_slice %arg14[%rem3A_109, %dma_start3A, %dma_start3A_138] : memref<5x80x128xf32, #tpu.memory_space<vmem>> -> memref<1x80x128xf32, #tpu.memory_space<vmem>>
      %dma_start3A_140 = tpu.memref_squeeze %dma_start3A_139 : memref<1x80x128xf32, #tpu.memory_space<vmem>> -> memref<80x128xf32, #tpu.memory_space<vmem>>
      %dma_start3A_141 = arith.constant 0 : i32
      %dma_start3A_142 = tpu.memref_slice %arg5[%add3A_137, %dma_start3A_141] : memref<100000x128xf32, #tpu.memory_space<hbm>> -> memref<80x128xf32, #tpu.memory_space<hbm>>
      %dma_start3A_143 = arith.constant 0 : i32
      %dma_start3A_144 = tpu.memref_slice %arg5[%add3A_137, %dma_start3A_143] : memref<100000x128xf32, #tpu.memory_space<hbm>> -> memref<80x128xf32, #tpu.memory_space<hbm>>
      %dma_start3A_145 = arith.constant 0 : i32
      %dma_start3A_146 = arith.constant 0 : i32
      %dma_start3A_147 = tpu.memref_slice %arg14[%rem3A_109, %dma_start3A_145, %dma_start3A_146] : memref<5x80x128xf32, #tpu.memory_space<vmem>> -> memref<1x80x128xf32, #tpu.memory_space<vmem>>
      %dma_start3A_148 = tpu.memref_squeeze %dma_start3A_147 : memref<1x80x128xf32, #tpu.memory_space<vmem>> -> memref<80x128xf32, #tpu.memory_space<vmem>>
      tpu.enqueue_dma source(%dma_start3A_148 : memref<80x128xf32, #tpu.memory_space<vmem>>) target(%dma_start3A_144 : memref<80x128xf32, #tpu.memory_space<hbm>>) target_semaphore(%arg16 : memref<!tpu.dma_semaphore, #tpu.memory_space<semaphore_mem>>)
      %mul3A_149 = arith.constant 27 : i32
      %mul3A_150 = arith.muli %while3A_103, %mul3A_149 : i32
      %min3A = arith.constant 1024 : i32
      %min3A_151 = arith.minsi %mul3A_150, %min3A : i32
      %add3A_152 = arith.constant 27 : i32
      %add3A_153 = arith.addi %min3A_151, %add3A_152 : i32
      %min3A_154 = arith.constant 1024 : i32
      %min3A_155 = arith.minsi %add3A_153, %min3A_154 : i32
      %parallel_loop3A = arith.constant 1 : i32
      %parallel_loop3A_156 = scf.for %parallel_loop3A_157 = %min3A_151 to %min3A_155 step %parallel_loop3A iter_args(%parallel_loop3A_158 = %while3A_104) -> (i32)  : i32 {
        %parallel_loop3A_159 = arith.constant 16 : i32
        %parallel_loop3A_160 = arith.muli %parallel_loop3A_157, %parallel_loop3A_159 : i32
        %parallel_loop3A_161 = arith.index_cast %parallel_loop3A_160 : i32 to index
        %parallel_loop3A_162 = tpu.vector_load %arg7[%parallel_loop3A_161] {strides = array<i32>} : memref<16384xi32, #tpu.memory_space<vmem>>, vector<16xi32>,
        %parallel_loop3A_163 = arith.constant 16 : i32
        %parallel_loop3A_164 = arith.muli %parallel_loop3A_157, %parallel_loop3A_163 : i32
        %parallel_loop3A_165 = vector.broadcast %parallel_loop3A_164 : i32 to vector<16xi32>
        %parallel_loop3A_166 = arith.addi %parallel_loop3A_165, %iota3A : vector<16xi32>
        %parallel_loop3A_167 = vector.broadcast %add3A : i32 to vector<16xi32>
        %parallel_loop3A_168 = arith.cmpi sge, %parallel_loop3A_162, %parallel_loop3A_167 : vector<16xi32>
        %parallel_loop3A_169 = arith.constant 3125 : i32
        %parallel_loop3A_170 = arith.addi %add3A, %parallel_loop3A_169 : i32
        %parallel_loop3A_171 = vector.broadcast %parallel_loop3A_170 : i32 to vector<16xi32>
        %parallel_loop3A_172 = arith.cmpi slt, %parallel_loop3A_162, %parallel_loop3A_171 : vector<16xi32>
        %parallel_loop3A_173 = arith.andi %parallel_loop3A_168, %parallel_loop3A_172 : vector<16xi1>
        %parallel_loop3A_174 = arith.constant 4080 : i32
        %parallel_loop3A_175 = arith.minsi %parallel_loop3A_158, %parallel_loop3A_174 : i32
        %parallel_loop3A_176 = arith.index_cast %parallel_loop3A_175 : i32 to index
        %parallel_loop3A_177 = tpu.vector_load %arg8[%parallel_loop3A_176] masked %parallel_loop3A_173 {strides = array<i32>} : memref<4112xi32, #tpu.memory_space<vmem>>, vector<16xi32>, vector<16xi1>
        tpu.vector_store %arg8[%parallel_loop3A_176], %parallel_loop3A_166 masked %parallel_loop3A_173 {strides = array<i32>} : memref<4112xi32, #tpu.memory_space<vmem>>, vector<16xi32>, vector<16xi1>
        %parallel_loop3A_178 = arith.index_cast %parallel_loop3A_175 : i32 to index
        %parallel_loop3A_179 = tpu.vector_load %arg9[%parallel_loop3A_178] masked %parallel_loop3A_173 {strides = array<i32>} : memref<4112xi32, #tpu.memory_space<vmem>>, vector<16xi32>, vector<16xi1>
        tpu.vector_store %arg9[%parallel_loop3A_178], %parallel_loop3A_162 masked %parallel_loop3A_173 {strides = array<i32>} : memref<4112xi32, #tpu.memory_space<vmem>>, vector<16xi32>, vector<16xi1>
        %parallel_loop3A_180 = tpu.all_reduce %parallel_loop3A_173 {dim = 0 : i64, kind = #tpu.reduction_kind<sum>} : vector<16xi1> -> vector<16xi32>
        %parallel_loop3A_181 = vector.extract_strided_slice %parallel_loop3A_180 {offsets = [0], sizes = [1], strides = [1]} : vector<16xi32> to vector<1xi32>
        %parallel_loop3A_182 = vector.extract %parallel_loop3A_181[0] : i32 from vector<1xi32>
        %parallel_loop3A_183 = arith.addi %parallel_loop3A_158, %parallel_loop3A_182 : i32
        scf.yield %parallel_loop3A_183 : i32
      } {sc.loop_unroll_factor = 8 : i64, sc.parallel_access}
      scf.yield %parallel_loop3A_156 : i32
    }
    %add3A_38 = arith.constant 15 : i32
    %add3A_39 = arith.addi %while3A_37, %add3A_38 : i32
    %div3A_40 = arith.constant 16 : i32
    %div3A_41 = arith.divsi %add3A_39, %div3A_40 : i32
    %add3A_42 = arith.constant 63 : i32
    %add3A_43 = arith.addi %while3A_37, %add3A_42 : i32
    %div3A_44 = arith.constant 64 : i32
    %div3A_45 = arith.divsi %add3A_43, %div3A_44 : i32
    %while3A_46 = arith.constant 0 : i32
    %while3A_47 = arith.subi %div3A_41, %while3A_46 : i32
    %while3A_48 = arith.addi %while3A_46, %while3A_47 : i32
    %while3A_49 = arith.constant 1 : i32
    %while3A_50 = arith.divsi %while3A_47, %while3A_49 : i32
    %while3A_51 = arith.muli %while3A_50, %while3A_49 : i32
    %while3A_52 = arith.addi %while3A_46, %while3A_51 : i32
    %while3A_53 = arith.constant 1 : i32
    scf.for %while3A_103 = %while3A_46 to %while3A_52 step %while3A_53  : i32 {
      %mul3A_104 = arith.constant 16 : i32
      %mul3A_105 = arith.muli %while3A_103, %mul3A_104 : i32
      %add3A_106 = vector.broadcast %mul3A_105 : i32 to vector<16xi32>
      %add3A_107 = arith.addi %add3A_106, %iota3A : vector<16xi32>
      %lt3A = vector.broadcast %while3A_37 : i32 to vector<16xi32>
      %lt3A_108 = arith.cmpi slt, %add3A_107, %lt3A : vector<16xi32>
      %mul3A_109 = arith.constant 16 : i32
      %mul3A_110 = arith.muli %while3A_103, %mul3A_109 : i32
      %get3A = arith.index_cast %mul3A_110 : i32 to index
      %get3A_111 = tpu.vector_load %arg9[%get3A] {strides = array<i32>} : memref<4112xi32, #tpu.memory_space<vmem>>, vector<16xi32>,
      %sub3A_112 = vector.broadcast %add3A : i32 to vector<16xi32>
      %sub3A_113 = arith.subi %get3A_111, %sub3A_112 : vector<16xi32>
      %jit3A = arith.constant 0 : i32
      %broadcast_in_dim3A = vector.broadcast %jit3A : i32 to vector<16xi32>
      %select_n3A = arith.select %lt3A_108, %sub3A_113, %broadcast_in_dim3A : vector<16xi1>, vector<16xi32>
      %gather3A = tpu.vector_load_idx %arg10[%select_n3A] : memref<3136xi32, #tpu.memory_space<vmem>>[vector<16xi32>], vector<16xi32>,
      %gt3A_114 = arith.cmpi sgt, %add3A_107, %gather3A : vector<16xi32>
      %and3A_115 = arith.andi %lt3A_108, %gt3A_114 : vector<16xi1>
      %while3A_116 = scf.while (%while3A_117 = %and3A_115) : (vector<16xi1>) -> vector<16xi1> {
        %reduce_or3A = arith.constant 1.000000e+00 : f32
        %reduce_or3A_118 = arith.constant 0.000000e+00 : f32
        %reduce_or3A_119 = vector.broadcast %reduce_or3A : f32 to vector<16xf32>
        %reduce_or3A_120 = vector.broadcast %reduce_or3A_118 : f32 to vector<16xf32>
        %reduce_or3A_121 = arith.select %while3A_117, %reduce_or3A_119, %reduce_or3A_120 : vector<16xi1>, vector<16xf32>
        %reduce_or3A_122 = arith.constant true
        %reduce_or3A_123 = vector.broadcast %reduce_or3A_122 : i1 to vector<16xi1>
        %reduce_or3A_124 = tpu.scan <max>, %reduce_or3A_121 masked %reduce_or3A_123 : vector<16xf32>, vector<16xi1> -> vector<16xf32>
        %reduce_or3A_125 = vector.extract %reduce_or3A_124[15] : f32 from vector<16xf32>
        %reduce_or3A_126 = arith.constant 0.000000e+00 : f32
        %reduce_or3A_127 = arith.cmpf ogt, %reduce_or3A_125, %reduce_or3A_126 : f32
        scf.condition(%reduce_or3A_127) %while3A_117 : vector<16xi1>
      } do {
      ^bb0(%while3A_117: vector<16xi1>):
        tpu.vector_store_idx %arg10[%select_n3A], %add3A_107 masked %while3A_117 : memref<3136xi32, #tpu.memory_space<vmem>>[vector<16xi32>], vector<16xi32>, vector<16xi1>
        %gather3A_118 = tpu.vector_load_idx %arg10[%select_n3A] : memref<3136xi32, #tpu.memory_space<vmem>>[vector<16xi32>], vector<16xi32>,
        %gt3A_119 = arith.cmpi sgt, %add3A_107, %gather3A_118 : vector<16xi32>
        %and3A_120 = arith.andi %lt3A_108, %gt3A_119 : vector<16xi1>
        scf.yield %and3A_120 : vector<16xi1>
      }
    }
    %while3A_54 = arith.constant 1 : i32
    scf.for %while3A_103 = %while3A_52 to %while3A_48 step %while3A_54  : i32 {
      %mul3A_104 = arith.constant 16 : i32
      %mul3A_105 = arith.muli %while3A_103, %mul3A_104 : i32
      %add3A_106 = vector.broadcast %mul3A_105 : i32 to vector<16xi32>
      %add3A_107 = arith.addi %add3A_106, %iota3A : vector<16xi32>
      %lt3A = vector.broadcast %while3A_37 : i32 to vector<16xi32>
      %lt3A_108 = arith.cmpi slt, %add3A_107, %lt3A : vector<16xi32>
      %mul3A_109 = arith.constant 16 : i32
      %mul3A_110 = arith.muli %while3A_103, %mul3A_109 : i32
      %get3A = arith.index_cast %mul3A_110 : i32 to index
      %get3A_111 = tpu.vector_load %arg9[%get3A] {strides = array<i32>} : memref<4112xi32, #tpu.memory_space<vmem>>, vector<16xi32>,
      %sub3A_112 = vector.broadcast %add3A : i32 to vector<16xi32>
      %sub3A_113 = arith.subi %get3A_111, %sub3A_112 : vector<16xi32>
      %jit3A = arith.constant 0 : i32
      %broadcast_in_dim3A = vector.broadcast %jit3A : i32 to vector<16xi32>
      %select_n3A = arith.select %lt3A_108, %sub3A_113, %broadcast_in_dim3A : vector<16xi1>, vector<16xi32>
      %gather3A = tpu.vector_load_idx %arg10[%select_n3A] : memref<3136xi32, #tpu.memory_space<vmem>>[vector<16xi32>], vector<16xi32>,
      %gt3A_114 = arith.cmpi sgt, %add3A_107, %gather3A : vector<16xi32>
      %and3A_115 = arith.andi %lt3A_108, %gt3A_114 : vector<16xi1>
      %while3A_116 = scf.while (%while3A_117 = %and3A_115) : (vector<16xi1>) -> vector<16xi1> {
        %reduce_or3A = arith.constant 1.000000e+00 : f32
        %reduce_or3A_118 = arith.constant 0.000000e+00 : f32
        %reduce_or3A_119 = vector.broadcast %reduce_or3A : f32 to vector<16xf32>
        %reduce_or3A_120 = vector.broadcast %reduce_or3A_118 : f32 to vector<16xf32>
        %reduce_or3A_121 = arith.select %while3A_117, %reduce_or3A_119, %reduce_or3A_120 : vector<16xi1>, vector<16xf32>
        %reduce_or3A_122 = arith.constant true
        %reduce_or3A_123 = vector.broadcast %reduce_or3A_122 : i1 to vector<16xi1>
        %reduce_or3A_124 = tpu.scan <max>, %reduce_or3A_121 masked %reduce_or3A_123 : vector<16xf32>, vector<16xi1> -> vector<16xf32>
        %reduce_or3A_125 = vector.extract %reduce_or3A_124[15] : f32 from vector<16xf32>
        %reduce_or3A_126 = arith.constant 0.000000e+00 : f32
        %reduce_or3A_127 = arith.cmpf ogt, %reduce_or3A_125, %reduce_or3A_126 : f32
        scf.condition(%reduce_or3A_127) %while3A_117 : vector<16xi1>
      } do {
      ^bb0(%while3A_117: vector<16xi1>):
        tpu.vector_store_idx %arg10[%select_n3A], %add3A_107 masked %while3A_117 : memref<3136xi32, #tpu.memory_space<vmem>>[vector<16xi32>], vector<16xi32>, vector<16xi1>
        %gather3A_118 = tpu.vector_load_idx %arg10[%select_n3A] : memref<3136xi32, #tpu.memory_space<vmem>>[vector<16xi32>], vector<16xi32>,
        %gt3A_119 = arith.cmpi sgt, %add3A_107, %gather3A_118 : vector<16xi32>
        %and3A_120 = arith.andi %lt3A_108, %gt3A_119 : vector<16xi1>
        scf.yield %and3A_120 : vector<16xi1>
      }
    }
    %while3A_55 = arith.constant 0 : i32
    %while3A_56 = arith.subi %div3A_41, %while3A_55 : i32
    %while3A_57 = arith.addi %while3A_55, %while3A_56 : i32
    %while3A_58 = arith.constant 1 : i32
    %while3A_59 = arith.divsi %while3A_56, %while3A_58 : i32
    %while3A_60 = arith.muli %while3A_59, %while3A_58 : i32
    %while3A_61 = arith.addi %while3A_55, %while3A_60 : i32
    %while3A_62 = arith.constant 1 : i32
    scf.for %while3A_103 = %while3A_55 to %while3A_61 step %while3A_62  : i32 {
      %mul3A_104 = arith.constant 16 : i32
      %mul3A_105 = arith.muli %while3A_103, %mul3A_104 : i32
      %add3A_106 = vector.broadcast %mul3A_105 : i32 to vector<16xi32>
      %add3A_107 = arith.addi %add3A_106, %iota3A : vector<16xi32>
      %lt3A = vector.broadcast %while3A_37 : i32 to vector<16xi32>
      %lt3A_108 = arith.cmpi slt, %add3A_107, %lt3A : vector<16xi32>
      %mul3A_109 = arith.constant 16 : i32
      %mul3A_110 = arith.muli %while3A_103, %mul3A_109 : i32
      %get3A = arith.index_cast %mul3A_110 : i32 to index
      %get3A_111 = tpu.vector_load %arg9[%get3A] {strides = array<i32>} : memref<4112xi32, #tpu.memory_space<vmem>>, vector<16xi32>,
      %mul3A_112 = arith.constant 16 : i32
      %mul3A_113 = arith.muli %while3A_103, %mul3A_112 : i32
      %get3A_114 = arith.index_cast %mul3A_113 : i32 to index
      %get3A_115 = tpu.vector_load %arg8[%get3A_114] {strides = array<i32>} : memref<4112xi32, #tpu.memory_space<vmem>>, vector<16xi32>,
      %sub3A_116 = vector.broadcast %add3A : i32 to vector<16xi32>
      %sub3A_117 = arith.subi %get3A_111, %sub3A_116 : vector<16xi32>
      %jit3A = arith.constant 0 : i32
      %broadcast_in_dim3A = vector.broadcast %jit3A : i32 to vector<16xi32>
      %select_n3A = arith.select %lt3A_108, %sub3A_117, %broadcast_in_dim3A : vector<16xi1>, vector<16xi32>
      %gather3A = tpu.vector_load_idx %arg10[%select_n3A] : memref<3136xi32, #tpu.memory_space<vmem>>[vector<16xi32>], vector<16xi32>,
      %jit3A_118 = arith.constant 0 : i32
      %broadcast_in_dim3A_119 = vector.broadcast %jit3A_118 : i32 to vector<16xi32>
      %select_n3A_120 = arith.select %lt3A_108, %gather3A, %broadcast_in_dim3A_119 : vector<16xi1>, vector<16xi32>
      %gather3A_121 = tpu.vector_load_idx %arg8[%select_n3A_120] : memref<4112xi32, #tpu.memory_space<vmem>>[vector<16xi32>], vector<16xi32>,
      tpu.vector_store_idx %arg7[%add3A_107], %gather3A_121 masked %lt3A_108 : memref<16384xi32, #tpu.memory_space<vmem>>[vector<16xi32>], vector<16xi32>, vector<16xi1>
      %shift_right_logical3A = arith.constant 6 : i32
      %shift_right_logical3A_122 = vector.broadcast %shift_right_logical3A : i32 to vector<16xi32>
      %shift_right_logical3A_123 = arith.shrui %add3A_107, %shift_right_logical3A_122 : vector<16xi32>
      %and3A_124 = arith.constant 63 : i32
      %and3A_125 = vector.broadcast %and3A_124 : i32 to vector<16xi32>
      %and3A_126 = arith.andi %add3A_107, %and3A_125 : vector<16xi32>
      tpu.vector_store_idx %arg12[%shift_right_logical3A_123, %and3A_126], %get3A_111 masked %lt3A_108 : memref<64x64xi32, #tpu.memory_space<vmem>>[vector<16xi32>, vector<16xi32>], vector<16xi32>, vector<16xi1>
      tpu.vector_store_idx %arg11[%shift_right_logical3A_123, %and3A_126], %get3A_115 masked %lt3A_108 : memref<64x64xi32, #tpu.memory_space<vmem>>[vector<16xi32>, vector<16xi32>], vector<16xi32>, vector<16xi1>
    }
    %while3A_63 = arith.constant 1 : i32
    scf.for %while3A_103 = %while3A_61 to %while3A_57 step %while3A_63  : i32 {
      %mul3A_104 = arith.constant 16 : i32
      %mul3A_105 = arith.muli %while3A_103, %mul3A_104 : i32
      %add3A_106 = vector.broadcast %mul3A_105 : i32 to vector<16xi32>
      %add3A_107 = arith.addi %add3A_106, %iota3A : vector<16xi32>
      %lt3A = vector.broadcast %while3A_37 : i32 to vector<16xi32>
      %lt3A_108 = arith.cmpi slt, %add3A_107, %lt3A : vector<16xi32>
      %mul3A_109 = arith.constant 16 : i32
      %mul3A_110 = arith.muli %while3A_103, %mul3A_109 : i32
      %get3A = arith.index_cast %mul3A_110 : i32 to index
      %get3A_111 = tpu.vector_load %arg9[%get3A] {strides = array<i32>} : memref<4112xi32, #tpu.memory_space<vmem>>, vector<16xi32>,
      %mul3A_112 = arith.constant 16 : i32
      %mul3A_113 = arith.muli %while3A_103, %mul3A_112 : i32
      %get3A_114 = arith.index_cast %mul3A_113 : i32 to index
      %get3A_115 = tpu.vector_load %arg8[%get3A_114] {strides = array<i32>} : memref<4112xi32, #tpu.memory_space<vmem>>, vector<16xi32>,
      %sub3A_116 = vector.broadcast %add3A : i32 to vector<16xi32>
      %sub3A_117 = arith.subi %get3A_111, %sub3A_116 : vector<16xi32>
      %jit3A = arith.constant 0 : i32
      %broadcast_in_dim3A = vector.broadcast %jit3A : i32 to vector<16xi32>
      %select_n3A = arith.select %lt3A_108, %sub3A_117, %broadcast_in_dim3A : vector<16xi1>, vector<16xi32>
      %gather3A = tpu.vector_load_idx %arg10[%select_n3A] : memref<3136xi32, #tpu.memory_space<vmem>>[vector<16xi32>], vector<16xi32>,
      %jit3A_118 = arith.constant 0 : i32
      %broadcast_in_dim3A_119 = vector.broadcast %jit3A_118 : i32 to vector<16xi32>
      %select_n3A_120 = arith.select %lt3A_108, %gather3A, %broadcast_in_dim3A_119 : vector<16xi1>, vector<16xi32>
      %gather3A_121 = tpu.vector_load_idx %arg8[%select_n3A_120] : memref<4112xi32, #tpu.memory_space<vmem>>[vector<16xi32>], vector<16xi32>,
      tpu.vector_store_idx %arg7[%add3A_107], %gather3A_121 masked %lt3A_108 : memref<16384xi32, #tpu.memory_space<vmem>>[vector<16xi32>], vector<16xi32>, vector<16xi1>
      %shift_right_logical3A = arith.constant 6 : i32
      %shift_right_logical3A_122 = vector.broadcast %shift_right_logical3A : i32 to vector<16xi32>
      %shift_right_logical3A_123 = arith.shrui %add3A_107, %shift_right_logical3A_122 : vector<16xi32>
      %and3A_124 = arith.constant 63 : i32
      %and3A_125 = vector.broadcast %and3A_124 : i32 to vector<16xi32>
      %and3A_126 = arith.andi %add3A_107, %and3A_125 : vector<16xi32>
      tpu.vector_store_idx %arg12[%shift_right_logical3A_123, %and3A_126], %get3A_111 masked %lt3A_108 : memref<64x64xi32, #tpu.memory_space<vmem>>[vector<16xi32>, vector<16xi32>], vector<16xi32>, vector<16xi1>
      tpu.vector_store_idx %arg11[%shift_right_logical3A_123, %and3A_126], %get3A_115 masked %lt3A_108 : memref<64x64xi32, #tpu.memory_space<vmem>>[vector<16xi32>, vector<16xi32>], vector<16xi32>, vector<16xi1>
    }
    %gt3A_64 = arith.constant 0 : i32
    %gt3A_65 = arith.cmpi sgt, %while3A_37, %gt3A_64 : i32
    %rem3A = arith.constant 64 : i32
    %rem3A_66 = arith.remsi %while3A_37, %rem3A : i32
    %ne3A = arith.constant 0 : i32
    %ne3A_67 = arith.cmpi ne, %rem3A_66, %ne3A : i32
    %and3A = arith.andi %gt3A_65, %ne3A_67 : i1
    %convert_element_type3A_68 = arith.extui %and3A : i1 to i32
    %cond3A_69 = arith.constant 0 : i32
    %cond3A_70 = arith.cmpi ne, %convert_element_type3A_68, %cond3A_69 : i32
    scf.if %cond3A_70 {
      %add3A_103 = arith.constant 0 : i32
      %add3A_104 = arith.addi %while3A_37, %add3A_103 : i32
      %add3A_105 = vector.broadcast %add3A_104 : i32 to vector<16xi32>
      %add3A_106 = arith.addi %add3A_105, %iota3A : vector<16xi32>
      %mul3A_107 = arith.constant 64 : i32
      %mul3A_108 = arith.muli %div3A_45, %mul3A_107 : i32
      %lt3A = vector.broadcast %mul3A_108 : i32 to vector<16xi32>
      %lt3A_109 = arith.cmpi slt, %add3A_106, %lt3A : vector<16xi32>
      %add3A_110 = arith.constant 0 : i32
      %add3A_111 = vector.broadcast %add3A_110 : i32 to vector<16xi32>
      %add3A_112 = arith.addi %add3A_111, %iota3A : vector<16xi32>
      %rem3A_113 = vector.broadcast %while3A_37 : i32 to vector<16xi32>
      %rem3A_114 = arith.remsi %add3A_112, %rem3A_113 : vector<16xi32>
      %shift_right_logical3A = arith.constant 6 : i32
      %shift_right_logical3A_115 = vector.broadcast %shift_right_logical3A : i32 to vector<16xi32>
      %shift_right_logical3A_116 = arith.shrui %rem3A_114, %shift_right_logical3A_115 : vector<16xi32>
      %and3A_117 = arith.constant 63 : i32
      %and3A_118 = vector.broadcast %and3A_117 : i32 to vector<16xi32>
      %and3A_119 = arith.andi %rem3A_114, %and3A_118 : vector<16xi32>
      %gather3A = tpu.vector_load_idx %arg11[%shift_right_logical3A_116, %and3A_119] : memref<64x64xi32, #tpu.memory_space<vmem>>[vector<16xi32>, vector<16xi32>], vector<16xi32>,
      %gather3A_120 = tpu.vector_load_idx %arg12[%shift_right_logical3A_116, %and3A_119] : memref<64x64xi32, #tpu.memory_space<vmem>>[vector<16xi32>, vector<16xi32>], vector<16xi32>,
      %gather3A_121 = tpu.vector_load_idx %arg7[%rem3A_114] : memref<16384xi32, #tpu.memory_space<vmem>>[vector<16xi32>], vector<16xi32>,
      %shift_right_logical3A_122 = arith.constant 6 : i32
      %shift_right_logical3A_123 = vector.broadcast %shift_right_logical3A_122 : i32 to vector<16xi32>
      %shift_right_logical3A_124 = arith.shrui %add3A_106, %shift_right_logical3A_123 : vector<16xi32>
      %and3A_125 = arith.constant 63 : i32
      %and3A_126 = vector.broadcast %and3A_125 : i32 to vector<16xi32>
      %and3A_127 = arith.andi %add3A_106, %and3A_126 : vector<16xi32>
      tpu.vector_store_idx %arg11[%shift_right_logical3A_124, %and3A_127], %gather3A masked %lt3A_109 : memref<64x64xi32, #tpu.memory_space<vmem>>[vector<16xi32>, vector<16xi32>], vector<16xi32>, vector<16xi1>
      tpu.vector_store_idx %arg12[%shift_right_logical3A_124, %and3A_127], %gather3A_120 masked %lt3A_109 : memref<64x64xi32, #tpu.memory_space<vmem>>[vector<16xi32>, vector<16xi32>], vector<16xi32>, vector<16xi1>
      tpu.vector_store_idx %arg7[%add3A_106], %gather3A_121 masked %lt3A_109 : memref<16384xi32, #tpu.memory_space<vmem>>[vector<16xi32>], vector<16xi32>, vector<16xi1>
      %add3A_128 = arith.constant 16 : i32
      %add3A_129 = arith.addi %while3A_37, %add3A_128 : i32
      %add3A_130 = vector.broadcast %add3A_129 : i32 to vector<16xi32>
      %add3A_131 = arith.addi %add3A_130, %iota3A : vector<16xi32>
      %mul3A_132 = arith.constant 64 : i32
      %mul3A_133 = arith.muli %div3A_45, %mul3A_132 : i32
      %lt3A_134 = vector.broadcast %mul3A_133 : i32 to vector<16xi32>
      %lt3A_135 = arith.cmpi slt, %add3A_131, %lt3A_134 : vector<16xi32>
      %add3A_136 = arith.constant 16 : i32
      %add3A_137 = vector.broadcast %add3A_136 : i32 to vector<16xi32>
      %add3A_138 = arith.addi %add3A_137, %iota3A : vector<16xi32>
      %rem3A_139 = vector.broadcast %while3A_37 : i32 to vector<16xi32>
      %rem3A_140 = arith.remsi %add3A_138, %rem3A_139 : vector<16xi32>
      %shift_right_logical3A_141 = arith.constant 6 : i32
      %shift_right_logical3A_142 = vector.broadcast %shift_right_logical3A_141 : i32 to vector<16xi32>
      %shift_right_logical3A_143 = arith.shrui %rem3A_140, %shift_right_logical3A_142 : vector<16xi32>
      %and3A_144 = arith.constant 63 : i32
      %and3A_145 = vector.broadcast %and3A_144 : i32 to vector<16xi32>
      %and3A_146 = arith.andi %rem3A_140, %and3A_145 : vector<16xi32>
      %gather3A_147 = tpu.vector_load_idx %arg11[%shift_right_logical3A_143, %and3A_146] : memref<64x64xi32, #tpu.memory_space<vmem>>[vector<16xi32>, vector<16xi32>], vector<16xi32>,
      %gather3A_148 = tpu.vector_load_idx %arg12[%shift_right_logical3A_143, %and3A_146] : memref<64x64xi32, #tpu.memory_space<vmem>>[vector<16xi32>, vector<16xi32>], vector<16xi32>,
      %gather3A_149 = tpu.vector_load_idx %arg7[%rem3A_140] : memref<16384xi32, #tpu.memory_space<vmem>>[vector<16xi32>], vector<16xi32>,
      %shift_right_logical3A_150 = arith.constant 6 : i32
      %shift_right_logical3A_151 = vector.broadcast %shift_right_logical3A_150 : i32 to vector<16xi32>
      %shift_right_logical3A_152 = arith.shrui %add3A_131, %shift_right_logical3A_151 : vector<16xi32>
      %and3A_153 = arith.constant 63 : i32
      %and3A_154 = vector.broadcast %and3A_153 : i32 to vector<16xi32>
      %and3A_155 = arith.andi %add3A_131, %and3A_154 : vector<16xi32>
      tpu.vector_store_idx %arg11[%shift_right_logical3A_152, %and3A_155], %gather3A_147 masked %lt3A_135 : memref<64x64xi32, #tpu.memory_space<vmem>>[vector<16xi32>, vector<16xi32>], vector<16xi32>, vector<16xi1>
      tpu.vector_store_idx %arg12[%shift_right_logical3A_152, %and3A_155], %gather3A_148 masked %lt3A_135 : memref<64x64xi32, #tpu.memory_space<vmem>>[vector<16xi32>, vector<16xi32>], vector<16xi32>, vector<16xi1>
      tpu.vector_store_idx %arg7[%add3A_131], %gather3A_149 masked %lt3A_135 : memref<16384xi32, #tpu.memory_space<vmem>>[vector<16xi32>], vector<16xi32>, vector<16xi1>
      %add3A_156 = arith.constant 32 : i32
      %add3A_157 = arith.addi %while3A_37, %add3A_156 : i32
      %add3A_158 = vector.broadcast %add3A_157 : i32 to vector<16xi32>
      %add3A_159 = arith.addi %add3A_158, %iota3A : vector<16xi32>
      %mul3A_160 = arith.constant 64 : i32
      %mul3A_161 = arith.muli %div3A_45, %mul3A_160 : i32
      %lt3A_162 = vector.broadcast %mul3A_161 : i32 to vector<16xi32>
      %lt3A_163 = arith.cmpi slt, %add3A_159, %lt3A_162 : vector<16xi32>
      %add3A_164 = arith.constant 32 : i32
      %add3A_165 = vector.broadcast %add3A_164 : i32 to vector<16xi32>
      %add3A_166 = arith.addi %add3A_165, %iota3A : vector<16xi32>
      %rem3A_167 = vector.broadcast %while3A_37 : i32 to vector<16xi32>
      %rem3A_168 = arith.remsi %add3A_166, %rem3A_167 : vector<16xi32>
      %shift_right_logical3A_169 = arith.constant 6 : i32
      %shift_right_logical3A_170 = vector.broadcast %shift_right_logical3A_169 : i32 to vector<16xi32>
      %shift_right_logical3A_171 = arith.shrui %rem3A_168, %shift_right_logical3A_170 : vector<16xi32>
      %and3A_172 = arith.constant 63 : i32
      %and3A_173 = vector.broadcast %and3A_172 : i32 to vector<16xi32>
      %and3A_174 = arith.andi %rem3A_168, %and3A_173 : vector<16xi32>
      %gather3A_175 = tpu.vector_load_idx %arg11[%shift_right_logical3A_171, %and3A_174] : memref<64x64xi32, #tpu.memory_space<vmem>>[vector<16xi32>, vector<16xi32>], vector<16xi32>,
      %gather3A_176 = tpu.vector_load_idx %arg12[%shift_right_logical3A_171, %and3A_174] : memref<64x64xi32, #tpu.memory_space<vmem>>[vector<16xi32>, vector<16xi32>], vector<16xi32>,
      %gather3A_177 = tpu.vector_load_idx %arg7[%rem3A_168] : memref<16384xi32, #tpu.memory_space<vmem>>[vector<16xi32>], vector<16xi32>,
      %shift_right_logical3A_178 = arith.constant 6 : i32
      %shift_right_logical3A_179 = vector.broadcast %shift_right_logical3A_178 : i32 to vector<16xi32>
      %shift_right_logical3A_180 = arith.shrui %add3A_159, %shift_right_logical3A_179 : vector<16xi32>
      %and3A_181 = arith.constant 63 : i32
      %and3A_182 = vector.broadcast %and3A_181 : i32 to vector<16xi32>
      %and3A_183 = arith.andi %add3A_159, %and3A_182 : vector<16xi32>
      tpu.vector_store_idx %arg11[%shift_right_logical3A_180, %and3A_183], %gather3A_175 masked %lt3A_163 : memref<64x64xi32, #tpu.memory_space<vmem>>[vector<16xi32>, vector<16xi32>], vector<16xi32>, vector<16xi1>
      tpu.vector_store_idx %arg12[%shift_right_logical3A_180, %and3A_183], %gather3A_176 masked %lt3A_163 : memref<64x64xi32, #tpu.memory_space<vmem>>[vector<16xi32>, vector<16xi32>], vector<16xi32>, vector<16xi1>
      tpu.vector_store_idx %arg7[%add3A_159], %gather3A_177 masked %lt3A_163 : memref<16384xi32, #tpu.memory_space<vmem>>[vector<16xi32>], vector<16xi32>, vector<16xi1>
      %add3A_184 = arith.constant 48 : i32
      %add3A_185 = arith.addi %while3A_37, %add3A_184 : i32
      %add3A_186 = vector.broadcast %add3A_185 : i32 to vector<16xi32>
      %add3A_187 = arith.addi %add3A_186, %iota3A : vector<16xi32>
      %mul3A_188 = arith.constant 64 : i32
      %mul3A_189 = arith.muli %div3A_45, %mul3A_188 : i32
      %lt3A_190 = vector.broadcast %mul3A_189 : i32 to vector<16xi32>
      %lt3A_191 = arith.cmpi slt, %add3A_187, %lt3A_190 : vector<16xi32>
      %add3A_192 = arith.constant 48 : i32
      %add3A_193 = vector.broadcast %add3A_192 : i32 to vector<16xi32>
      %add3A_194 = arith.addi %add3A_193, %iota3A : vector<16xi32>
      %rem3A_195 = vector.broadcast %while3A_37 : i32 to vector<16xi32>
      %rem3A_196 = arith.remsi %add3A_194, %rem3A_195 : vector<16xi32>
      %shift_right_logical3A_197 = arith.constant 6 : i32
      %shift_right_logical3A_198 = vector.broadcast %shift_right_logical3A_197 : i32 to vector<16xi32>
      %shift_right_logical3A_199 = arith.shrui %rem3A_196, %shift_right_logical3A_198 : vector<16xi32>
      %and3A_200 = arith.constant 63 : i32
      %and3A_201 = vector.broadcast %and3A_200 : i32 to vector<16xi32>
      %and3A_202 = arith.andi %rem3A_196, %and3A_201 : vector<16xi32>
      %gather3A_203 = tpu.vector_load_idx %arg11[%shift_right_logical3A_199, %and3A_202] : memref<64x64xi32, #tpu.memory_space<vmem>>[vector<16xi32>, vector<16xi32>], vector<16xi32>,
      %gather3A_204 = tpu.vector_load_idx %arg12[%shift_right_logical3A_199, %and3A_202] : memref<64x64xi32, #tpu.memory_space<vmem>>[vector<16xi32>, vector<16xi32>], vector<16xi32>,
      %gather3A_205 = tpu.vector_load_idx %arg7[%rem3A_196] : memref<16384xi32, #tpu.memory_space<vmem>>[vector<16xi32>], vector<16xi32>,
      %shift_right_logical3A_206 = arith.constant 6 : i32
      %shift_right_logical3A_207 = vector.broadcast %shift_right_logical3A_206 : i32 to vector<16xi32>
      %shift_right_logical3A_208 = arith.shrui %add3A_187, %shift_right_logical3A_207 : vector<16xi32>
      %and3A_209 = arith.constant 63 : i32
      %and3A_210 = vector.broadcast %and3A_209 : i32 to vector<16xi32>
      %and3A_211 = arith.andi %add3A_187, %and3A_210 : vector<16xi32>
      tpu.vector_store_idx %arg11[%shift_right_logical3A_208, %and3A_211], %gather3A_203 masked %lt3A_191 : memref<64x64xi32, #tpu.memory_space<vmem>>[vector<16xi32>, vector<16xi32>], vector<16xi32>, vector<16xi1>
      tpu.vector_store_idx %arg12[%shift_right_logical3A_208, %and3A_211], %gather3A_204 masked %lt3A_191 : memref<64x64xi32, #tpu.memory_space<vmem>>[vector<16xi32>, vector<16xi32>], vector<16xi32>, vector<16xi1>
      tpu.vector_store_idx %arg7[%add3A_187], %gather3A_205 masked %lt3A_191 : memref<16384xi32, #tpu.memory_space<vmem>>[vector<16xi32>], vector<16xi32>, vector<16xi1>
    } else {
    }
    %ge3A = arith.constant 2 : i32
    %ge3A_71 = arith.cmpi sge, %div3A_10, %ge3A : i32
    %convert_element_type3A_72 = arith.extui %ge3A_71 : i1 to i32
    %cond3A_73 = arith.constant 0 : i32
    %cond3A_74 = arith.cmpi ne, %convert_element_type3A_72, %cond3A_73 : i32
    scf.if %cond3A_74 {
      %sub3A_103 = arith.constant 2 : i32
      %sub3A_104 = arith.subi %div3A_10, %sub3A_103 : i32
      %mul3A_105 = arith.constant 16 : i32
      %mul3A_106 = arith.muli %sub3A_104, %mul3A_105 : i32
      %add3A_107 = arith.addi %arg1, %mul3A_106 : i32
      %sub3A_108 = arith.constant 2 : i32
      %sub3A_109 = arith.subi %div3A_10, %sub3A_108 : i32
      %rem3A_110 = arith.constant 5 : i32
      %rem3A_111 = arith.remsi %sub3A_109, %rem3A_110 : i32
      %mul3A_112 = arith.constant 80 : i32
      %mul3A_113 = arith.muli %add3A_107, %mul3A_112 : i32
      %add3A_114 = arith.addi %mul3A_4, %mul3A_113 : i32
      %dma_wait3A_115 = arith.constant 0 : i32
      %dma_wait3A_116 = arith.constant 0 : i32
      %dma_wait3A_117 = tpu.memref_slice %arg14[%rem3A_111, %dma_wait3A_115, %dma_wait3A_116] : memref<5x80x128xf32, #tpu.memory_space<vmem>> -> memref<1x80x128xf32, #tpu.memory_space<vmem>>
      %dma_wait3A_118 = tpu.memref_squeeze %dma_wait3A_117 : memref<1x80x128xf32, #tpu.memory_space<vmem>> -> memref<80x128xf32, #tpu.memory_space<vmem>>
      %dma_wait3A_119 = arith.constant 0 : i32
      %dma_wait3A_120 = tpu.memref_slice %arg5[%add3A_114, %dma_wait3A_119] : memref<100000x128xf32, #tpu.memory_space<hbm>> -> memref<80x128xf32, #tpu.memory_space<hbm>>
      %dma_wait3A_121 = arith.constant 0 : i32
      %dma_wait3A_122 = tpu.memref_slice %arg5[%add3A_114, %dma_wait3A_121] : memref<100000x128xf32, #tpu.memory_space<hbm>> -> memref<80x128xf32, #tpu.memory_space<hbm>>
      %dma_wait3A_123 = arith.constant 0 : i32
      %dma_wait3A_124 = arith.constant 0 : i32
      %dma_wait3A_125 = tpu.memref_slice %arg14[%rem3A_111, %dma_wait3A_123, %dma_wait3A_124] : memref<5x80x128xf32, #tpu.memory_space<vmem>> -> memref<1x80x128xf32, #tpu.memory_space<vmem>>
      %dma_wait3A_126 = tpu.memref_squeeze %dma_wait3A_125 : memref<1x80x128xf32, #tpu.memory_space<vmem>> -> memref<80x128xf32, #tpu.memory_space<vmem>>
      tpu.wait_dma2 semaphore(%arg16 : memref<!tpu.dma_semaphore, #tpu.memory_space<semaphore_mem>>) src(%dma_wait3A_126 : memref<80x128xf32, #tpu.memory_space<vmem>>) dst(%dma_wait3A_122 : memref<80x128xf32, #tpu.memory_space<hbm>>)
    } else {
    }
    %sub3A_75 = arith.constant 1 : i32
    %sub3A_76 = arith.subi %div3A_10, %sub3A_75 : i32
    %mul3A_77 = arith.constant 16 : i32
    %mul3A_78 = arith.muli %sub3A_76, %mul3A_77 : i32
    %add3A_79 = arith.addi %arg1, %mul3A_78 : i32
    %sub3A_80 = arith.constant 1 : i32
    %sub3A_81 = arith.subi %div3A_10, %sub3A_80 : i32
    %rem3A_82 = arith.constant 5 : i32
    %rem3A_83 = arith.remsi %sub3A_81, %rem3A_82 : i32
    %mul3A_84 = arith.constant 80 : i32
    %mul3A_85 = arith.muli %add3A_79, %mul3A_84 : i32
    %add3A_86 = arith.addi %mul3A_4, %mul3A_85 : i32
    %dma_wait3A = arith.constant 0 : i32
    %dma_wait3A_87 = arith.constant 0 : i32
    %dma_wait3A_88 = tpu.memref_slice %arg14[%rem3A_83, %dma_wait3A, %dma_wait3A_87] : memref<5x80x128xf32, #tpu.memory_space<vmem>> -> memref<1x80x128xf32, #tpu.memory_space<vmem>>
    %dma_wait3A_89 = tpu.memref_squeeze %dma_wait3A_88 : memref<1x80x128xf32, #tpu.memory_space<vmem>> -> memref<80x128xf32, #tpu.memory_space<vmem>>
    %dma_wait3A_90 = arith.constant 0 : i32
    %dma_wait3A_91 = tpu.memref_slice %arg5[%add3A_86, %dma_wait3A_90] : memref<100000x128xf32, #tpu.memory_space<hbm>> -> memref<80x128xf32, #tpu.memory_space<hbm>>
    %dma_wait3A_92 = arith.constant 0 : i32
    %dma_wait3A_93 = tpu.memref_slice %arg5[%add3A_86, %dma_wait3A_92] : memref<100000x128xf32, #tpu.memory_space<hbm>> -> memref<80x128xf32, #tpu.memory_space<hbm>>
    %dma_wait3A_94 = arith.constant 0 : i32
    %dma_wait3A_95 = arith.constant 0 : i32
    %dma_wait3A_96 = tpu.memref_slice %arg14[%rem3A_83, %dma_wait3A_94, %dma_wait3A_95] : memref<5x80x128xf32, #tpu.memory_space<vmem>> -> memref<1x80x128xf32, #tpu.memory_space<vmem>>
    %dma_wait3A_97 = tpu.memref_squeeze %dma_wait3A_96 : memref<1x80x128xf32, #tpu.memory_space<vmem>> -> memref<80x128xf32, #tpu.memory_space<vmem>>
    tpu.wait_dma2 semaphore(%arg16 : memref<!tpu.dma_semaphore, #tpu.memory_space<semaphore_mem>>) src(%dma_wait3A_97 : memref<80x128xf32, #tpu.memory_space<vmem>>) dst(%dma_wait3A_93 : memref<80x128xf32, #tpu.memory_space<hbm>>)
    %barrier3A = arith.constant 0 : index
    tpu.barrier barrier_id(%barrier3A)
    %gt3A_98 = arith.constant 0 : i32
    %gt3A_99 = arith.cmpi sgt, %div3A_45, %gt3A_98 : i32
    %convert_element_type3A_100 = arith.extui %gt3A_99 : i1 to i32
    %cond3A_101 = arith.constant 0 : i32
    %cond3A_102 = arith.cmpi ne, %convert_element_type3A_100, %cond3A_101 : i32
    scf.if %cond3A_102 {
      %dma_start3A = arith.constant 0 : i32
      %dma_start3A_103 = arith.constant 0 : i32
      %dma_start3A_104 = arith.constant 0 : i32
      %dma_start3A_105 = tpu.memref_slice %arg13[%dma_start3A, %dma_start3A_103, %dma_start3A_104] : memref<4x64x128xf32, #tpu.memory_space<vmem>> -> memref<1x64x128xf32, #tpu.memory_space<vmem>>
      %dma_start3A_106 = tpu.memref_squeeze %dma_start3A_105 : memref<1x64x128xf32, #tpu.memory_space<vmem>> -> memref<64x128xf32, #tpu.memory_space<vmem>>
      %dma_start3A_107 = arith.constant 0 : i32
      %dma_start3A_108 = tpu.memref_slice %arg7[%dma_start3A_107] : memref<16384xi32, #tpu.memory_space<vmem>> -> memref<64xi32, #tpu.memory_space<vmem>>
      %dma_start3A_109 = arith.constant 0 : i32
      %dma_start3A_110 = arith.constant 0 : i32
      %dma_start3A_111 = tpu.memref_slice %arg4[%dma_start3A_109, %dma_start3A_110] : memref<16384x128xf32, #tpu.memory_space<hbm>> -> memref<16384x128xf32, #tpu.memory_space<hbm>>
      tpu.enqueue_indirect_dma source(%dma_start3A_111 : memref<16384x128xf32, #tpu.memory_space<hbm>>) target(%dma_start3A_106 : memref<64x128xf32, #tpu.memory_space<vmem>>) offsets(%dma_start3A_108 : memref<64xi32, #tpu.memory_space<vmem>>) semaphore(%arg17 : memref<!tpu.dma_semaphore, #tpu.memory_space<semaphore_mem>>)
      %gt3A_112 = arith.constant 1 : i32
      %gt3A_113 = arith.cmpi sgt, %div3A_45, %gt3A_112 : i32
      %convert_element_type3A_114 = arith.extui %gt3A_113 : i1 to i32
      %cond3A_115 = arith.constant 0 : i32
      %cond3A_116 = arith.cmpi ne, %convert_element_type3A_114, %cond3A_115 : i32
      scf.if %cond3A_116 {
        %dma_start3A_137 = arith.constant 1 : i32
        %dma_start3A_138 = arith.constant 0 : i32
        %dma_start3A_139 = arith.constant 0 : i32
        %dma_start3A_140 = tpu.memref_slice %arg13[%dma_start3A_137, %dma_start3A_138, %dma_start3A_139] : memref<4x64x128xf32, #tpu.memory_space<vmem>> -> memref<1x64x128xf32, #tpu.memory_space<vmem>>
        %dma_start3A_141 = tpu.memref_squeeze %dma_start3A_140 : memref<1x64x128xf32, #tpu.memory_space<vmem>> -> memref<64x128xf32, #tpu.memory_space<vmem>>
        %dma_start3A_142 = arith.constant 64 : i32
        %dma_start3A_143 = tpu.memref_slice %arg7[%dma_start3A_142] : memref<16384xi32, #tpu.memory_space<vmem>> -> memref<64xi32, #tpu.memory_space<vmem>>
        %dma_start3A_144 = arith.constant 0 : i32
        %dma_start3A_145 = arith.constant 0 : i32
        %dma_start3A_146 = tpu.memref_slice %arg4[%dma_start3A_144, %dma_start3A_145] : memref<16384x128xf32, #tpu.memory_space<hbm>> -> memref<16384x128xf32, #tpu.memory_space<hbm>>
        tpu.enqueue_indirect_dma source(%dma_start3A_146 : memref<16384x128xf32, #tpu.memory_space<hbm>>) target(%dma_start3A_141 : memref<64x128xf32, #tpu.memory_space<vmem>>) offsets(%dma_start3A_143 : memref<64xi32, #tpu.memory_space<vmem>>) semaphore(%arg17 : memref<!tpu.dma_semaphore, #tpu.memory_space<semaphore_mem>>)
      } else {
      }
      %while3A_117 = arith.constant 0 : i32
      %while3A_118 = arith.subi %div3A_45, %while3A_117 : i32
      %while3A_119 = arith.addi %while3A_117, %while3A_118 : i32
      %while3A_120 = arith.constant 1 : i32
      %while3A_121 = arith.divsi %while3A_118, %while3A_120 : i32
      %while3A_122 = arith.muli %while3A_121, %while3A_120 : i32
      %while3A_123 = arith.addi %while3A_117, %while3A_122 : i32
      %while3A_124 = arith.constant 1 : i32
      scf.for %while3A_137 = %while3A_117 to %while3A_123 step %while3A_124  : i32 {
        %rem3A_138 = arith.constant 4 : i32
        %rem3A_139 = arith.remsi %while3A_137, %rem3A_138 : i32
        %mul3A_140 = arith.constant 64 : i32
        %mul3A_141 = arith.muli %while3A_137, %mul3A_140 : i32
        %dma_wait3A_142 = arith.constant 0 : i32
        %dma_wait3A_143 = arith.constant 0 : i32
        %dma_wait3A_144 = tpu.memref_slice %arg13[%rem3A_139, %dma_wait3A_142, %dma_wait3A_143] : memref<4x64x128xf32, #tpu.memory_space<vmem>> -> memref<1x64x128xf32, #tpu.memory_space<vmem>>
        %dma_wait3A_145 = tpu.memref_squeeze %dma_wait3A_144 : memref<1x64x128xf32, #tpu.memory_space<vmem>> -> memref<64x128xf32, #tpu.memory_space<vmem>>
        %dma_wait3A_146 = tpu.memref_slice %arg7[%mul3A_141] : memref<16384xi32, #tpu.memory_space<vmem>> -> memref<64xi32, #tpu.memory_space<vmem>>
        %dma_wait3A_147 = arith.constant 0 : i32
        %dma_wait3A_148 = arith.constant 0 : i32
        %dma_wait3A_149 = tpu.memref_slice %arg4[%dma_wait3A_147, %dma_wait3A_148] : memref<16384x128xf32, #tpu.memory_space<hbm>> -> memref<16384x128xf32, #tpu.memory_space<hbm>>
        tpu.wait_indirect_dma semaphore(%arg17 : memref<!tpu.dma_semaphore, #tpu.memory_space<semaphore_mem>>) src(%dma_wait3A_149 : memref<16384x128xf32, #tpu.memory_space<hbm>>) dst(%dma_wait3A_145 : memref<64x128xf32, #tpu.memory_space<vmem>>)
        %ge3A_150 = arith.constant 2 : i32
        %ge3A_151 = arith.cmpi sge, %while3A_137, %ge3A_150 : i32
        %convert_element_type3A_152 = arith.extui %ge3A_151 : i1 to i32
        %cond3A_153 = arith.constant 0 : i32
        %cond3A_154 = arith.cmpi ne, %convert_element_type3A_152, %cond3A_153 : i32
        scf.if %cond3A_154 {
          %sub3A_180 = arith.constant 2 : i32
          %sub3A_181 = arith.subi %while3A_137, %sub3A_180 : i32
          %sub3A_182 = arith.constant 2 : i32
          %sub3A_183 = arith.subi %while3A_137, %sub3A_182 : i32
          %rem3A_184 = arith.constant 4 : i32
          %rem3A_185 = arith.remsi %sub3A_183, %rem3A_184 : i32
          %dma_wait3A_186 = arith.constant 0 : i32
          %dma_wait3A_187 = arith.constant 0 : i32
          %dma_wait3A_188 = tpu.memref_slice %arg13[%rem3A_185, %dma_wait3A_186, %dma_wait3A_187] : memref<4x64x128xf32, #tpu.memory_space<vmem>> -> memref<1x64x128xf32, #tpu.memory_space<vmem>>
          %dma_wait3A_189 = tpu.memref_squeeze %dma_wait3A_188 : memref<1x64x128xf32, #tpu.memory_space<vmem>> -> memref<64x128xf32, #tpu.memory_space<vmem>>
          %dma_wait3A_190 = arith.constant 0 : i32
          %dma_wait3A_191 = tpu.memref_slice %arg12[%sub3A_181, %dma_wait3A_190] : memref<64x64xi32, #tpu.memory_space<vmem>> -> memref<1x64xi32, #tpu.memory_space<vmem>>
          %dma_wait3A_192 = tpu.memref_squeeze %dma_wait3A_191 : memref<1x64xi32, #tpu.memory_space<vmem>> -> memref<64xi32, #tpu.memory_space<vmem>>
          %dma_wait3A_193 = arith.constant 0 : i32
          %dma_wait3A_194 = arith.constant 0 : i32
          %dma_wait3A_195 = tpu.memref_slice %arg5[%dma_wait3A_193, %dma_wait3A_194] : memref<100000x128xf32, #tpu.memory_space<hbm>> -> memref<100000x128xf32, #tpu.memory_space<hbm>>
          tpu.wait_indirect_dma semaphore(%arg18 : memref<!tpu.dma_semaphore, #tpu.memory_space<semaphore_mem>>) src(%dma_wait3A_189 : memref<64x128xf32, #tpu.memory_space<vmem>>) dst(%dma_wait3A_195 : memref<100000x128xf32, #tpu.memory_space<hbm>>)
          %sub3A_196 = arith.constant 2 : i32
          %sub3A_197 = arith.subi %while3A_137, %sub3A_196 : i32
          %sub3A_198 = arith.constant 2 : i32
          %sub3A_199 = arith.subi %while3A_137, %sub3A_198 : i32
          %rem3A_200 = arith.constant 4 : i32
          %rem3A_201 = arith.remsi %sub3A_199, %rem3A_200 : i32
          %dma_wait3A_202 = arith.constant 0 : i32
          %dma_wait3A_203 = arith.constant 0 : i32
          %dma_wait3A_204 = tpu.memref_slice %arg13[%rem3A_201, %dma_wait3A_202, %dma_wait3A_203] : memref<4x64x128xf32, #tpu.memory_space<vmem>> -> memref<1x64x128xf32, #tpu.memory_space<vmem>>
          %dma_wait3A_205 = tpu.memref_squeeze %dma_wait3A_204 : memref<1x64x128xf32, #tpu.memory_space<vmem>> -> memref<64x128xf32, #tpu.memory_space<vmem>>
          %dma_wait3A_206 = arith.constant 0 : i32
          %dma_wait3A_207 = tpu.memref_slice %arg11[%sub3A_197, %dma_wait3A_206] : memref<64x64xi32, #tpu.memory_space<vmem>> -> memref<1x64xi32, #tpu.memory_space<vmem>>
          %dma_wait3A_208 = tpu.memref_squeeze %dma_wait3A_207 : memref<1x64xi32, #tpu.memory_space<vmem>> -> memref<64xi32, #tpu.memory_space<vmem>>
          %dma_wait3A_209 = arith.constant 0 : i32
          %dma_wait3A_210 = arith.constant 0 : i32
          %dma_wait3A_211 = tpu.memref_slice %arg6[%dma_wait3A_209, %dma_wait3A_210] : memref<16384x128xf32, #tpu.memory_space<hbm>> -> memref<16384x128xf32, #tpu.memory_space<hbm>>
          tpu.wait_indirect_dma semaphore(%arg18 : memref<!tpu.dma_semaphore, #tpu.memory_space<semaphore_mem>>) src(%dma_wait3A_205 : memref<64x128xf32, #tpu.memory_space<vmem>>) dst(%dma_wait3A_211 : memref<16384x128xf32, #tpu.memory_space<hbm>>)
        } else {
        }
        %sub3A_155 = arith.constant 2 : i32
        %sub3A_156 = arith.subi %div3A_45, %sub3A_155 : i32
        %lt3A = arith.cmpi slt, %while3A_137, %sub3A_156 : i32
        %convert_element_type3A_157 = arith.extui %lt3A : i1 to i32
        %cond3A_158 = arith.constant 0 : i32
        %cond3A_159 = arith.cmpi ne, %convert_element_type3A_157, %cond3A_158 : i32
        scf.if %cond3A_159 {
          %add3A_180 = arith.constant 2 : i32
          %add3A_181 = arith.addi %while3A_137, %add3A_180 : i32
          %add3A_182 = arith.constant 2 : i32
          %add3A_183 = arith.addi %while3A_137, %add3A_182 : i32
          %rem3A_184 = arith.constant 4 : i32
          %rem3A_185 = arith.remsi %add3A_183, %rem3A_184 : i32
          %mul3A_186 = arith.constant 64 : i32
          %mul3A_187 = arith.muli %add3A_181, %mul3A_186 : i32
          %dma_start3A_188 = arith.constant 0 : i32
          %dma_start3A_189 = arith.constant 0 : i32
          %dma_start3A_190 = tpu.memref_slice %arg13[%rem3A_185, %dma_start3A_188, %dma_start3A_189] : memref<4x64x128xf32, #tpu.memory_space<vmem>> -> memref<1x64x128xf32, #tpu.memory_space<vmem>>
          %dma_start3A_191 = tpu.memref_squeeze %dma_start3A_190 : memref<1x64x128xf32, #tpu.memory_space<vmem>> -> memref<64x128xf32, #tpu.memory_space<vmem>>
          %dma_start3A_192 = tpu.memref_slice %arg7[%mul3A_187] : memref<16384xi32, #tpu.memory_space<vmem>> -> memref<64xi32, #tpu.memory_space<vmem>>
          %dma_start3A_193 = arith.constant 0 : i32
          %dma_start3A_194 = arith.constant 0 : i32
          %dma_start3A_195 = tpu.memref_slice %arg4[%dma_start3A_193, %dma_start3A_194] : memref<16384x128xf32, #tpu.memory_space<hbm>> -> memref<16384x128xf32, #tpu.memory_space<hbm>>
          tpu.enqueue_indirect_dma source(%dma_start3A_195 : memref<16384x128xf32, #tpu.memory_space<hbm>>) target(%dma_start3A_191 : memref<64x128xf32, #tpu.memory_space<vmem>>) offsets(%dma_start3A_192 : memref<64xi32, #tpu.memory_space<vmem>>) semaphore(%arg17 : memref<!tpu.dma_semaphore, #tpu.memory_space<semaphore_mem>>)
        } else {
        }
        %dma_start3A_160 = arith.constant 0 : i32
        %dma_start3A_161 = arith.constant 0 : i32
        %dma_start3A_162 = tpu.memref_slice %arg13[%rem3A_139, %dma_start3A_160, %dma_start3A_161] : memref<4x64x128xf32, #tpu.memory_space<vmem>> -> memref<1x64x128xf32, #tpu.memory_space<vmem>>
        %dma_start3A_163 = tpu.memref_squeeze %dma_start3A_162 : memref<1x64x128xf32, #tpu.memory_space<vmem>> -> memref<64x128xf32, #tpu.memory_space<vmem>>
        %dma_start3A_164 = arith.constant 0 : i32
        %dma_start3A_165 = tpu.memref_slice %arg12[%while3A_137, %dma_start3A_164] : memref<64x64xi32, #tpu.memory_space<vmem>> -> memref<1x64xi32, #tpu.memory_space<vmem>>
        %dma_start3A_166 = tpu.memref_squeeze %dma_start3A_165 : memref<1x64xi32, #tpu.memory_space<vmem>> -> memref<64xi32, #tpu.memory_space<vmem>>
        %dma_start3A_167 = arith.constant 0 : i32
        %dma_start3A_168 = arith.constant 0 : i32
        %dma_start3A_169 = tpu.memref_slice %arg5[%dma_start3A_167, %dma_start3A_168] : memref<100000x128xf32, #tpu.memory_space<hbm>> -> memref<100000x128xf32, #tpu.memory_space<hbm>>
        tpu.enqueue_indirect_dma source(%dma_start3A_163 : memref<64x128xf32, #tpu.memory_space<vmem>>) target(%dma_start3A_169 : memref<100000x128xf32, #tpu.memory_space<hbm>>) offsets(%dma_start3A_166 : memref<64xi32, #tpu.memory_space<vmem>>) semaphore(%arg18 : memref<!tpu.dma_semaphore, #tpu.memory_space<semaphore_mem>>)
        %dma_start3A_170 = arith.constant 0 : i32
        %dma_start3A_171 = arith.constant 0 : i32
        %dma_start3A_172 = tpu.memref_slice %arg13[%rem3A_139, %dma_start3A_170, %dma_start3A_171] : memref<4x64x128xf32, #tpu.memory_space<vmem>> -> memref<1x64x128xf32, #tpu.memory_space<vmem>>
        %dma_start3A_173 = tpu.memref_squeeze %dma_start3A_172 : memref<1x64x128xf32, #tpu.memory_space<vmem>> -> memref<64x128xf32, #tpu.memory_space<vmem>>
        %dma_start3A_174 = arith.constant 0 : i32
        %dma_start3A_175 = tpu.memref_slice %arg11[%while3A_137, %dma_start3A_174] : memref<64x64xi32, #tpu.memory_space<vmem>> -> memref<1x64xi32, #tpu.memory_space<vmem>>
        %dma_start3A_176 = tpu.memref_squeeze %dma_start3A_175 : memref<1x64xi32, #tpu.memory_space<vmem>> -> memref<64xi32, #tpu.memory_space<vmem>>
        %dma_start3A_177 = arith.constant 0 : i32
        %dma_start3A_178 = arith.constant 0 : i32
        %dma_start3A_179 = tpu.memref_slice %arg6[%dma_start3A_177, %dma_start3A_178] : memref<16384x128xf32, #tpu.memory_space<hbm>> -> memref<16384x128xf32, #tpu.memory_space<hbm>>
        tpu.enqueue_indirect_dma source(%dma_start3A_173 : memref<64x128xf32, #tpu.memory_space<vmem>>) target(%dma_start3A_179 : memref<16384x128xf32, #tpu.memory_space<hbm>>) offsets(%dma_start3A_176 : memref<64xi32, #tpu.memory_space<vmem>>) semaphore(%arg18 : memref<!tpu.dma_semaphore, #tpu.memory_space<semaphore_mem>>)
      }
      %while3A_125 = arith.constant 1 : i32
      scf.for %while3A_137 = %while3A_123 to %while3A_119 step %while3A_125  : i32 {
        %rem3A_138 = arith.constant 4 : i32
        %rem3A_139 = arith.remsi %while3A_137, %rem3A_138 : i32
        %mul3A_140 = arith.constant 64 : i32
        %mul3A_141 = arith.muli %while3A_137, %mul3A_140 : i32
        %dma_wait3A_142 = arith.constant 0 : i32
        %dma_wait3A_143 = arith.constant 0 : i32
        %dma_wait3A_144 = tpu.memref_slice %arg13[%rem3A_139, %dma_wait3A_142, %dma_wait3A_143] : memref<4x64x128xf32, #tpu.memory_space<vmem>> -> memref<1x64x128xf32, #tpu.memory_space<vmem>>
        %dma_wait3A_145 = tpu.memref_squeeze %dma_wait3A_144 : memref<1x64x128xf32, #tpu.memory_space<vmem>> -> memref<64x128xf32, #tpu.memory_space<vmem>>
        %dma_wait3A_146 = tpu.memref_slice %arg7[%mul3A_141] : memref<16384xi32, #tpu.memory_space<vmem>> -> memref<64xi32, #tpu.memory_space<vmem>>
        %dma_wait3A_147 = arith.constant 0 : i32
        %dma_wait3A_148 = arith.constant 0 : i32
        %dma_wait3A_149 = tpu.memref_slice %arg4[%dma_wait3A_147, %dma_wait3A_148] : memref<16384x128xf32, #tpu.memory_space<hbm>> -> memref<16384x128xf32, #tpu.memory_space<hbm>>
        tpu.wait_indirect_dma semaphore(%arg17 : memref<!tpu.dma_semaphore, #tpu.memory_space<semaphore_mem>>) src(%dma_wait3A_149 : memref<16384x128xf32, #tpu.memory_space<hbm>>) dst(%dma_wait3A_145 : memref<64x128xf32, #tpu.memory_space<vmem>>)
        %ge3A_150 = arith.constant 2 : i32
        %ge3A_151 = arith.cmpi sge, %while3A_137, %ge3A_150 : i32
        %convert_element_type3A_152 = arith.extui %ge3A_151 : i1 to i32
        %cond3A_153 = arith.constant 0 : i32
        %cond3A_154 = arith.cmpi ne, %convert_element_type3A_152, %cond3A_153 : i32
        scf.if %cond3A_154 {
          %sub3A_180 = arith.constant 2 : i32
          %sub3A_181 = arith.subi %while3A_137, %sub3A_180 : i32
          %sub3A_182 = arith.constant 2 : i32
          %sub3A_183 = arith.subi %while3A_137, %sub3A_182 : i32
          %rem3A_184 = arith.constant 4 : i32
          %rem3A_185 = arith.remsi %sub3A_183, %rem3A_184 : i32
          %dma_wait3A_186 = arith.constant 0 : i32
          %dma_wait3A_187 = arith.constant 0 : i32
          %dma_wait3A_188 = tpu.memref_slice %arg13[%rem3A_185, %dma_wait3A_186, %dma_wait3A_187] : memref<4x64x128xf32, #tpu.memory_space<vmem>> -> memref<1x64x128xf32, #tpu.memory_space<vmem>>
          %dma_wait3A_189 = tpu.memref_squeeze %dma_wait3A_188 : memref<1x64x128xf32, #tpu.memory_space<vmem>> -> memref<64x128xf32, #tpu.memory_space<vmem>>
          %dma_wait3A_190 = arith.constant 0 : i32
          %dma_wait3A_191 = tpu.memref_slice %arg12[%sub3A_181, %dma_wait3A_190] : memref<64x64xi32, #tpu.memory_space<vmem>> -> memref<1x64xi32, #tpu.memory_space<vmem>>
          %dma_wait3A_192 = tpu.memref_squeeze %dma_wait3A_191 : memref<1x64xi32, #tpu.memory_space<vmem>> -> memref<64xi32, #tpu.memory_space<vmem>>
          %dma_wait3A_193 = arith.constant 0 : i32
          %dma_wait3A_194 = arith.constant 0 : i32
          %dma_wait3A_195 = tpu.memref_slice %arg5[%dma_wait3A_193, %dma_wait3A_194] : memref<100000x128xf32, #tpu.memory_space<hbm>> -> memref<100000x128xf32, #tpu.memory_space<hbm>>
          tpu.wait_indirect_dma semaphore(%arg18 : memref<!tpu.dma_semaphore, #tpu.memory_space<semaphore_mem>>) src(%dma_wait3A_189 : memref<64x128xf32, #tpu.memory_space<vmem>>) dst(%dma_wait3A_195 : memref<100000x128xf32, #tpu.memory_space<hbm>>)
          %sub3A_196 = arith.constant 2 : i32
          %sub3A_197 = arith.subi %while3A_137, %sub3A_196 : i32
          %sub3A_198 = arith.constant 2 : i32
          %sub3A_199 = arith.subi %while3A_137, %sub3A_198 : i32
          %rem3A_200 = arith.constant 4 : i32
          %rem3A_201 = arith.remsi %sub3A_199, %rem3A_200 : i32
          %dma_wait3A_202 = arith.constant 0 : i32
          %dma_wait3A_203 = arith.constant 0 : i32
          %dma_wait3A_204 = tpu.memref_slice %arg13[%rem3A_201, %dma_wait3A_202, %dma_wait3A_203] : memref<4x64x128xf32, #tpu.memory_space<vmem>> -> memref<1x64x128xf32, #tpu.memory_space<vmem>>
          %dma_wait3A_205 = tpu.memref_squeeze %dma_wait3A_204 : memref<1x64x128xf32, #tpu.memory_space<vmem>> -> memref<64x128xf32, #tpu.memory_space<vmem>>
          %dma_wait3A_206 = arith.constant 0 : i32
          %dma_wait3A_207 = tpu.memref_slice %arg11[%sub3A_197, %dma_wait3A_206] : memref<64x64xi32, #tpu.memory_space<vmem>> -> memref<1x64xi32, #tpu.memory_space<vmem>>
          %dma_wait3A_208 = tpu.memref_squeeze %dma_wait3A_207 : memref<1x64xi32, #tpu.memory_space<vmem>> -> memref<64xi32, #tpu.memory_space<vmem>>
          %dma_wait3A_209 = arith.constant 0 : i32
          %dma_wait3A_210 = arith.constant 0 : i32
          %dma_wait3A_211 = tpu.memref_slice %arg6[%dma_wait3A_209, %dma_wait3A_210] : memref<16384x128xf32, #tpu.memory_space<hbm>> -> memref<16384x128xf32, #tpu.memory_space<hbm>>
          tpu.wait_indirect_dma semaphore(%arg18 : memref<!tpu.dma_semaphore, #tpu.memory_space<semaphore_mem>>) src(%dma_wait3A_205 : memref<64x128xf32, #tpu.memory_space<vmem>>) dst(%dma_wait3A_211 : memref<16384x128xf32, #tpu.memory_space<hbm>>)
        } else {
        }
        %sub3A_155 = arith.constant 2 : i32
        %sub3A_156 = arith.subi %div3A_45, %sub3A_155 : i32
        %lt3A = arith.cmpi slt, %while3A_137, %sub3A_156 : i32
        %convert_element_type3A_157 = arith.extui %lt3A : i1 to i32
        %cond3A_158 = arith.constant 0 : i32
        %cond3A_159 = arith.cmpi ne, %convert_element_type3A_157, %cond3A_158 : i32
        scf.if %cond3A_159 {
          %add3A_180 = arith.constant 2 : i32
          %add3A_181 = arith.addi %while3A_137, %add3A_180 : i32
          %add3A_182 = arith.constant 2 : i32
          %add3A_183 = arith.addi %while3A_137, %add3A_182 : i32
          %rem3A_184 = arith.constant 4 : i32
          %rem3A_185 = arith.remsi %add3A_183, %rem3A_184 : i32
          %mul3A_186 = arith.constant 64 : i32
          %mul3A_187 = arith.muli %add3A_181, %mul3A_186 : i32
          %dma_start3A_188 = arith.constant 0 : i32
          %dma_start3A_189 = arith.constant 0 : i32
          %dma_start3A_190 = tpu.memref_slice %arg13[%rem3A_185, %dma_start3A_188, %dma_start3A_189] : memref<4x64x128xf32, #tpu.memory_space<vmem>> -> memref<1x64x128xf32, #tpu.memory_space<vmem>>
          %dma_start3A_191 = tpu.memref_squeeze %dma_start3A_190 : memref<1x64x128xf32, #tpu.memory_space<vmem>> -> memref<64x128xf32, #tpu.memory_space<vmem>>
          %dma_start3A_192 = tpu.memref_slice %arg7[%mul3A_187] : memref<16384xi32, #tpu.memory_space<vmem>> -> memref<64xi32, #tpu.memory_space<vmem>>
          %dma_start3A_193 = arith.constant 0 : i32
          %dma_start3A_194 = arith.constant 0 : i32
          %dma_start3A_195 = tpu.memref_slice %arg4[%dma_start3A_193, %dma_start3A_194] : memref<16384x128xf32, #tpu.memory_space<hbm>> -> memref<16384x128xf32, #tpu.memory_space<hbm>>
          tpu.enqueue_indirect_dma source(%dma_start3A_195 : memref<16384x128xf32, #tpu.memory_space<hbm>>) target(%dma_start3A_191 : memref<64x128xf32, #tpu.memory_space<vmem>>) offsets(%dma_start3A_192 : memref<64xi32, #tpu.memory_space<vmem>>) semaphore(%arg17 : memref<!tpu.dma_semaphore, #tpu.memory_space<semaphore_mem>>)
        } else {
        }
        %dma_start3A_160 = arith.constant 0 : i32
        %dma_start3A_161 = arith.constant 0 : i32
        %dma_start3A_162 = tpu.memref_slice %arg13[%rem3A_139, %dma_start3A_160, %dma_start3A_161] : memref<4x64x128xf32, #tpu.memory_space<vmem>> -> memref<1x64x128xf32, #tpu.memory_space<vmem>>
        %dma_start3A_163 = tpu.memref_squeeze %dma_start3A_162 : memref<1x64x128xf32, #tpu.memory_space<vmem>> -> memref<64x128xf32, #tpu.memory_space<vmem>>
        %dma_start3A_164 = arith.constant 0 : i32
        %dma_start3A_165 = tpu.memref_slice %arg12[%while3A_137, %dma_start3A_164] : memref<64x64xi32, #tpu.memory_space<vmem>> -> memref<1x64xi32, #tpu.memory_space<vmem>>
        %dma_start3A_166 = tpu.memref_squeeze %dma_start3A_165 : memref<1x64xi32, #tpu.memory_space<vmem>> -> memref<64xi32, #tpu.memory_space<vmem>>
        %dma_start3A_167 = arith.constant 0 : i32
        %dma_start3A_168 = arith.constant 0 : i32
        %dma_start3A_169 = tpu.memref_slice %arg5[%dma_start3A_167, %dma_start3A_168] : memref<100000x128xf32, #tpu.memory_space<hbm>> -> memref<100000x128xf32, #tpu.memory_space<hbm>>
        tpu.enqueue_indirect_dma source(%dma_start3A_163 : memref<64x128xf32, #tpu.memory_space<vmem>>) target(%dma_start3A_169 : memref<100000x128xf32, #tpu.memory_space<hbm>>) offsets(%dma_start3A_166 : memref<64xi32, #tpu.memory_space<vmem>>) semaphore(%arg18 : memref<!tpu.dma_semaphore, #tpu.memory_space<semaphore_mem>>)
        %dma_start3A_170 = arith.constant 0 : i32
        %dma_start3A_171 = arith.constant 0 : i32
        %dma_start3A_172 = tpu.memref_slice %arg13[%rem3A_139, %dma_start3A_170, %dma_start3A_171] : memref<4x64x128xf32, #tpu.memory_space<vmem>> -> memref<1x64x128xf32, #tpu.memory_space<vmem>>
        %dma_start3A_173 = tpu.memref_squeeze %dma_start3A_172 : memref<1x64x128xf32, #tpu.memory_space<vmem>> -> memref<64x128xf32, #tpu.memory_space<vmem>>
        %dma_start3A_174 = arith.constant 0 : i32
        %dma_start3A_175 = tpu.memref_slice %arg11[%while3A_137, %dma_start3A_174] : memref<64x64xi32, #tpu.memory_space<vmem>> -> memref<1x64xi32, #tpu.memory_space<vmem>>
        %dma_start3A_176 = tpu.memref_squeeze %dma_start3A_175 : memref<1x64xi32, #tpu.memory_space<vmem>> -> memref<64xi32, #tpu.memory_space<vmem>>
        %dma_start3A_177 = arith.constant 0 : i32
        %dma_start3A_178 = arith.constant 0 : i32
        %dma_start3A_179 = tpu.memref_slice %arg6[%dma_start3A_177, %dma_start3A_178] : memref<16384x128xf32, #tpu.memory_space<hbm>> -> memref<16384x128xf32, #tpu.memory_space<hbm>>
        tpu.enqueue_indirect_dma source(%dma_start3A_173 : memref<64x128xf32, #tpu.memory_space<vmem>>) target(%dma_start3A_179 : memref<16384x128xf32, #tpu.memory_space<hbm>>) offsets(%dma_start3A_176 : memref<64xi32, #tpu.memory_space<vmem>>) semaphore(%arg18 : memref<!tpu.dma_semaphore, #tpu.memory_space<semaphore_mem>>)
      }
      %sub3A_126 = arith.constant 2 : i32
      %sub3A_127 = arith.subi %div3A_45, %sub3A_126 : i32
      %max3A = arith.constant 0 : i32
      %max3A_128 = arith.maxsi %sub3A_127, %max3A : i32
      %while3A_129 = arith.subi %div3A_45, %max3A_128 : i32
      %while3A_130 = arith.addi %max3A_128, %while3A_129 : i32
      %while3A_131 = arith.constant 1 : i32
      %while3A_132 = arith.divsi %while3A_129, %while3A_131 : i32
      %while3A_133 = arith.muli %while3A_132, %while3A_131 : i32
      %while3A_134 = arith.addi %max3A_128, %while3A_133 : i32
      %while3A_135 = arith.constant 1 : i32
      scf.for %while3A_137 = %max3A_128 to %while3A_134 step %while3A_135  : i32 {
        %rem3A_138 = arith.constant 4 : i32
        %rem3A_139 = arith.remsi %while3A_137, %rem3A_138 : i32
        %dma_wait3A_140 = arith.constant 0 : i32
        %dma_wait3A_141 = arith.constant 0 : i32
        %dma_wait3A_142 = tpu.memref_slice %arg13[%rem3A_139, %dma_wait3A_140, %dma_wait3A_141] : memref<4x64x128xf32, #tpu.memory_space<vmem>> -> memref<1x64x128xf32, #tpu.memory_space<vmem>>
        %dma_wait3A_143 = tpu.memref_squeeze %dma_wait3A_142 : memref<1x64x128xf32, #tpu.memory_space<vmem>> -> memref<64x128xf32, #tpu.memory_space<vmem>>
        %dma_wait3A_144 = arith.constant 0 : i32
        %dma_wait3A_145 = tpu.memref_slice %arg12[%while3A_137, %dma_wait3A_144] : memref<64x64xi32, #tpu.memory_space<vmem>> -> memref<1x64xi32, #tpu.memory_space<vmem>>
        %dma_wait3A_146 = tpu.memref_squeeze %dma_wait3A_145 : memref<1x64xi32, #tpu.memory_space<vmem>> -> memref<64xi32, #tpu.memory_space<vmem>>
        %dma_wait3A_147 = arith.constant 0 : i32
        %dma_wait3A_148 = arith.constant 0 : i32
        %dma_wait3A_149 = tpu.memref_slice %arg5[%dma_wait3A_147, %dma_wait3A_148] : memref<100000x128xf32, #tpu.memory_space<hbm>> -> memref<100000x128xf32, #tpu.memory_space<hbm>>
        tpu.wait_indirect_dma semaphore(%arg18 : memref<!tpu.dma_semaphore, #tpu.memory_space<semaphore_mem>>) src(%dma_wait3A_143 : memref<64x128xf32, #tpu.memory_space<vmem>>) dst(%dma_wait3A_149 : memref<100000x128xf32, #tpu.memory_space<hbm>>)
        %rem3A_150 = arith.constant 4 : i32
        %rem3A_151 = arith.remsi %while3A_137, %rem3A_150 : i32
        %dma_wait3A_152 = arith.constant 0 : i32
        %dma_wait3A_153 = arith.constant 0 : i32
        %dma_wait3A_154 = tpu.memref_slice %arg13[%rem3A_151, %dma_wait3A_152, %dma_wait3A_153] : memref<4x64x128xf32, #tpu.memory_space<vmem>> -> memref<1x64x128xf32, #tpu.memory_space<vmem>>
        %dma_wait3A_155 = tpu.memref_squeeze %dma_wait3A_154 : memref<1x64x128xf32, #tpu.memory_space<vmem>> -> memref<64x128xf32, #tpu.memory_space<vmem>>
        %dma_wait3A_156 = arith.constant 0 : i32
        %dma_wait3A_157 = tpu.memref_slice %arg11[%while3A_137, %dma_wait3A_156] : memref<64x64xi32, #tpu.memory_space<vmem>> -> memref<1x64xi32, #tpu.memory_space<vmem>>
        %dma_wait3A_158 = tpu.memref_squeeze %dma_wait3A_157 : memref<1x64xi32, #tpu.memory_space<vmem>> -> memref<64xi32, #tpu.memory_space<vmem>>
        %dma_wait3A_159 = arith.constant 0 : i32
        %dma_wait3A_160 = arith.constant 0 : i32
        %dma_wait3A_161 = tpu.memref_slice %arg6[%dma_wait3A_159, %dma_wait3A_160] : memref<16384x128xf32, #tpu.memory_space<hbm>> -> memref<16384x128xf32, #tpu.memory_space<hbm>>
        tpu.wait_indirect_dma semaphore(%arg18 : memref<!tpu.dma_semaphore, #tpu.memory_space<semaphore_mem>>) src(%dma_wait3A_155 : memref<64x128xf32, #tpu.memory_space<vmem>>) dst(%dma_wait3A_161 : memref<16384x128xf32, #tpu.memory_space<hbm>>)
      }
      %while3A_136 = arith.constant 1 : i32
      scf.for %while3A_137 = %while3A_134 to %while3A_130 step %while3A_136  : i32 {
        %rem3A_138 = arith.constant 4 : i32
        %rem3A_139 = arith.remsi %while3A_137, %rem3A_138 : i32
        %dma_wait3A_140 = arith.constant 0 : i32
        %dma_wait3A_141 = arith.constant 0 : i32
        %dma_wait3A_142 = tpu.memref_slice %arg13[%rem3A_139, %dma_wait3A_140, %dma_wait3A_141] : memref<4x64x128xf32, #tpu.memory_space<vmem>> -> memref<1x64x128xf32, #tpu.memory_space<vmem>>
        %dma_wait3A_143 = tpu.memref_squeeze %dma_wait3A_142 : memref<1x64x128xf32, #tpu.memory_space<vmem>> -> memref<64x128xf32, #tpu.memory_space<vmem>>
        %dma_wait3A_144 = arith.constant 0 : i32
        %dma_wait3A_145 = tpu.memref_slice %arg12[%while3A_137, %dma_wait3A_144] : memref<64x64xi32, #tpu.memory_space<vmem>> -> memref<1x64xi32, #tpu.memory_space<vmem>>
        %dma_wait3A_146 = tpu.memref_squeeze %dma_wait3A_145 : memref<1x64xi32, #tpu.memory_space<vmem>> -> memref<64xi32, #tpu.memory_space<vmem>>
        %dma_wait3A_147 = arith.constant 0 : i32
        %dma_wait3A_148 = arith.constant 0 : i32
        %dma_wait3A_149 = tpu.memref_slice %arg5[%dma_wait3A_147, %dma_wait3A_148] : memref<100000x128xf32, #tpu.memory_space<hbm>> -> memref<100000x128xf32, #tpu.memory_space<hbm>>
        tpu.wait_indirect_dma semaphore(%arg18 : memref<!tpu.dma_semaphore, #tpu.memory_space<semaphore_mem>>) src(%dma_wait3A_143 : memref<64x128xf32, #tpu.memory_space<vmem>>) dst(%dma_wait3A_149 : memref<100000x128xf32, #tpu.memory_space<hbm>>)
        %rem3A_150 = arith.constant 4 : i32
        %rem3A_151 = arith.remsi %while3A_137, %rem3A_150 : i32
        %dma_wait3A_152 = arith.constant 0 : i32
        %dma_wait3A_153 = arith.constant 0 : i32
        %dma_wait3A_154 = tpu.memref_slice %arg13[%rem3A_151, %dma_wait3A_152, %dma_wait3A_153] : memref<4x64x128xf32, #tpu.memory_space<vmem>> -> memref<1x64x128xf32, #tpu.memory_space<vmem>>
        %dma_wait3A_155 = tpu.memref_squeeze %dma_wait3A_154 : memref<1x64x128xf32, #tpu.memory_space<vmem>> -> memref<64x128xf32, #tpu.memory_space<vmem>>
        %dma_wait3A_156 = arith.constant 0 : i32
        %dma_wait3A_157 = tpu.memref_slice %arg11[%while3A_137, %dma_wait3A_156] : memref<64x64xi32, #tpu.memory_space<vmem>> -> memref<1x64xi32, #tpu.memory_space<vmem>>
        %dma_wait3A_158 = tpu.memref_squeeze %dma_wait3A_157 : memref<1x64xi32, #tpu.memory_space<vmem>> -> memref<64xi32, #tpu.memory_space<vmem>>
        %dma_wait3A_159 = arith.constant 0 : i32
        %dma_wait3A_160 = arith.constant 0 : i32
        %dma_wait3A_161 = tpu.memref_slice %arg6[%dma_wait3A_159, %dma_wait3A_160] : memref<16384x128xf32, #tpu.memory_space<hbm>> -> memref<16384x128xf32, #tpu.memory_space<hbm>>
        tpu.wait_indirect_dma semaphore(%arg18 : memref<!tpu.dma_semaphore, #tpu.memory_space<semaphore_mem>>) src(%dma_wait3A_155 : memref<64x128xf32, #tpu.memory_space<vmem>>) dst(%dma_wait3A_161 : memref<16384x128xf32, #tpu.memory_space<hbm>>)
      }
    } else {
    }
    return
  }
}

</mosaic_0001>

<sc_bundles>
// kernel: _run.3.cloned.1.call-start
scs
__scs_entry_jumppad:
0x0: {  	(pc) =	sbr.rel $0x88, $3  }
0x1: {  	(tag) =	ssettag $0x0;
	lr =	simm.s32 $0x1  }
0x2: {  	[smem:$0x3F9E] =	sst lr;
	_ =	strace $0xD0000000  }
0x3: {  	_ = 	snop  }
0x4: {  	_ = 	snop  }
0x5: {  	_ = 	snop  }
0x6: {  	_ = 	snop  }
0x7: {  	_ = 	snop  }
__scs_overlays_trampoline_lowered:
0x8: {  	[smem:$0x3FAD] =	sst s0  }
0x9: {  	[smem:$0x3FAE] =	sst s1  }
0xa: {  	[smem:$0x3FAF] =	sst s2  }
0xb: {  	[smem:$0x3FB0] =	sst s3  }
0xc: {  	[smem:$0x3FB1] =	sst s4  }
0xd: {  	[smem:$0x3FB2] =	sst s5  }
0xe: {  	[smem:$0x3FB3] =	sst s6  }
0xf: {  	[smem:$0x3FB4] =	sst s7  }
0x10: {  	[smem:$0x3FB5] =	sst s8  }
0x11: {  	[smem:$0x3FB6] =	sst s9;
	s0 =	simm.s32 @!p0 $0x0  }
0x12: {  	s1 =	sld [smem:$0x3F9C];
	s0 =	simm.s32 @p0 $0x1  }
0x13: {  	[smem:$0x3FB7] =	sst s0;
	s0 =	simm.s32 @!p1 $0x0  }
0x14: {  	s2 =	sld [smem:$0x3F9B];
	s0 =	simm.s32 @p1 $0x1  }
0x15: {  	[smem:$0x3FB8] =	sst s0;
	s0 =	simm.s32 @!p2 $0x0  }
0x16: {  	s3 =	sld [smem:$0x3FDB];
	s0 =	simm.s32 @p2 $0x1  }
0x17: {  	s4 =	simm.s32 $0x1BF5;
	[smem:$0x3FBA] =	sst s0  }
0x18: {  	s0 =	sld [smem:$0x3F9D];
	_ =	swait.ge [sflag:s4], $0x0  }
0x19: {  	s7 =	sld [smem:$0x3F9E]  }
0x1a: {  	s8 =	sadd.s32 $0xFFFFE003, lr  }
0x1b: {  	s9 =	sadd.s32 $0xFFFFFEF7, lr;
	s5 =	simm.s32 $0xFFFFFFFF;
	p2 =	slt.u32 s8, $0xFFFFF086  }
0x1c: {  	p1 =	slt.u32 s9, $0xF7A;
	s5 =	simm.s32 @!p2 $0x0  }
0x1d: {  	s5 =	simm.s32 @p1 $0x1;
	p0 =	seq.s32 s7, s2  }
0x1e: {  	s7 =	smul.u32 @!p0 $0xF7A, s2;
	p2 =	seq.s32 @!p0 s5, $0x0  }
0x1f: {  	s9 =	smul.u32 $0xF7A, s1;
	s8 =	simm.s32 @!p0 $0x1BF5;
	p2 =	por !p2, p0  }
0x20: {  	[sflag:s8] =	ssyncset.s32 @!p0 $0xFFFFF086;
	s6 =	sadd.s32 @!p0 s3, s7;
	s7 =	simm.s32 @!p0 $0x108  }
0x21: {  	s3 =	sadd.s32 s3, s9;
	s6 =	sadd.s32 @!p0 $0x88, s6;
	s7 =	simm.s32 @p2 $0x1082  }
0x22: {  	[simem:s7], [sflag:s8] =	dma.local @!p0 [hbm:s6], $0xF7A  }
0x23: {  	s9 =	sor.u32 $0xD0000000, s2;
	s6 =	simm.s32 $0x108;
	_ =	swait.ge @!p0 [sflag:s8], $0x0  }
0x24: {  	s3 =	sadd.s32 $0x88, s3;
	s6 =	simm.s32 @!p1 $0x1082;
	[sflag:s4] =	ssyncset.s32 $0xFFFFF086  }
0x25: {  	[simem:s6], [sflag:s4] =	dma.local [hbm:s3], $0xF7A  }
0x26: {  	[smem:$0x3F9E] =	sst s1;
	(tag) =	ssettag s2;
	_ =	strace s9  }
0x27: {  	s1 =	sld [smem:$0x3FAE]  }
0x28: {  	s2 =	sld [smem:$0x3FAF]  }
0x29: {  	s4 =	sld [smem:$0x3FB1]  }
0x2a: {  	p0 =	seq.s32 s5, $0x0;
	s5 =	sld [smem:$0x3FB2]  }
0x2b: {  	s6 =	sld [smem:$0x3FB3]  }
0x2c: {  	s7 =	sld [smem:$0x3FB4]  }
0x2d: {  	s3 =	simm.s32 $0x108;
	s8 =	sld [smem:$0x3FB5]  }
0x2e: {  	s3 =	simm.s32 @!p0 $0x1082;
	s9 =	sld [smem:$0x3FB6]  }
0x2f: {  	lr =	sadd.s32 s0, s3;
	s0 =	sld [smem:$0x3FAD]  }
0x30: {  	s3 =	sld [smem:$0x3FB0]  }
0x31: {  	[smem:$0x3FB9] =	sst s10  }
0x32: {  	s10 =	sld [smem:$0x3FB7];
	_ =	sdelay $0x3  }
0x33: {  	p0 =	seq.s32 s10, $0x1;
	s10 =	sld [smem:$0x3FB9];
	_ =	sdelay $0x3  }
0x34: {  	[smem:$0x3FB9] =	sst s10  }
0x35: {  	s10 =	sld [smem:$0x3FB8];
	_ =	sdelay $0x3  }
0x36: {  	p1 =	seq.s32 s10, $0x1;
	s10 =	sld [smem:$0x3FB9];
	_ =	sdelay $0x3  }
0x37: {  	[smem:$0x3FB9] =	sst s10  }
0x38: {  	s10 =	sld [smem:$0x3FBA]  }
0x39: {  	_ = 	snop;
	(pc) =	sbr.ind lr, $3  }
0x3a: {  	_ = 	snop  }
0x3b: {  	_ = 	snop  }
0x3c: {  	p2 =	seq.s32 s10, $0x1;
	s10 =	sld [smem:$0x3FB9]  }
0x3d: {  	_ =	shalt  }
0x3e: {  	_ =	shalt  }
0x3f: {  	_ =	shalt  }
0x40: {  	_ =	shalt  }
0x41: {  	_ =	shalt  }
0x42: {  	_ =	shalt  }
0x43: {  	_ =	shalt  }
0x44: {  	_ =	shalt  }
0x45: {  	_ =	shalt  }
0x46: {  	_ =	shalt  }
0x47: {  	_ =	shalt  }
0x48: {  	_ =	shalt  }
0x49: {  	_ =	shalt  }
0x4a: {  	_ =	shalt  }
0x4b: {  	_ =	shalt  }
0x4c: {  	_ =	shalt  }
0x4d: {  	_ =	shalt  }
0x4e: {  	_ =	shalt  }
0x4f: {  	_ =	shalt  }
0x50: {  	_ =	shalt  }
0x51: {  	_ =	shalt  }
0x52: {  	_ =	shalt  }
0x53: {  	_ =	shalt  }
0x54: {  	_ =	shalt  }
0x55: {  	_ =	shalt  }
0x56: {  	_ =	shalt  }
0x57: {  	_ =	shalt  }
0x58: {  	_ =	shalt  }
0x59: {  	_ =	shalt  }
0x5a: {  	_ =	shalt  }
0x5b: {  	_ =	shalt  }
0x5c: {  	_ =	shalt  }
0x5d: {  	_ =	shalt  }
0x5e: {  	_ =	shalt  }
0x5f: {  	_ =	shalt  }
0x60: {  	_ =	shalt  }
0x61: {  	_ =	shalt  }
0x62: {  	_ =	shalt  }
0x63: {  	_ =	shalt  }
0x64: {  	_ =	shalt  }
0x65: {  	_ =	shalt  }
0x66: {  	_ =	shalt  }
0x67: {  	_ =	shalt  }
0x68: {  	_ =	shalt  }
0x69: {  	_ =	shalt  }
0x6a: {  	_ =	shalt  }
0x6b: {  	_ =	shalt  }
0x6c: {  	_ =	shalt  }
0x6d: {  	_ =	shalt  }
0x6e: {  	_ =	shalt  }
0x6f: {  	_ =	shalt  }
0x70: {  	_ =	shalt  }
0x71: {  	_ =	shalt  }
0x72: {  	_ =	shalt  }
0x73: {  	_ =	shalt  }
0x74: {  	_ =	shalt  }
0x75: {  	_ =	shalt  }
0x76: {  	_ =	shalt  }
0x77: {  	_ =	shalt  }
0x78: {  	_ =	shalt  }
0x79: {  	_ =	shalt  }
0x7a: {  	_ =	shalt  }
0x7b: {  	_ =	shalt  }
0x7c: {  	_ =	shalt  }
0x7d: {  	_ =	shalt  }
0x7e: {  	_ =	shalt  }
0x7f: {  	_ =	shalt  }
0x80: {  	_ =	shalt  }
0x81: {  	_ =	shalt  }
0x82: {  	_ =	shalt  }
0x83: {  	_ =	shalt  }
0x84: {  	_ =	shalt  }
0x85: {  	_ =	shalt  }
0x86: {  	_ =	shalt  }
0x87: {  	_ =	shalt  }
.Lfunc_end0:
.L_simem_size_0:
called_computation_lowered:
.L_overlay_start_0:
0x88: {  	s2 =	sld [smem:$0x3FD9]  }
0x89: {  	s3 =	sld [smem:$0x3FFE];
	_ =	sdelay $0x1  }
0x8a: {  	s1 =	srdreg.scid  }
0x8b: {  	s0 =	sand.u32 $0x1, s1  }
0x8c: {  	s15 =	sshll.u32 s0, $0xA;
	s2 =	sadd.s32 s3, s2  }
0x8d: {  	s2 =	sadd.s32 s2, s15  }
0x8e: {  	[smem:$0x3FC5] =	sst s2  }
0x8f: {  	_ = 	snop  }
0x90: {  	s2 =	sld [smem:$0x3FD0]  }
0x91: {  	s16 =	sld [smem:$0x3FC9]  }
0x92: {  	s4 =	sld [smem:$0x3FC8]  }
0x93: {  	s6 =	simm.s32 $0xA;
	s7 =	simm.s32 $0x10;
	s5 =	sld [smem:$0x3FC7]  }
0x94: {  	[smem:s7], [sflag:s6] =	dma.local [hbm:s2], $0x1  }
0x95: {  	_ =	swait.eq [sflag:s6], $0x1  }
0x96: {  	[sflag:s6] =	ssyncset.done $0x0  }
0x97: {  	s17 =	sld [smem:$0x10];
	[sflag:s6] =	ssyncadd.s32 $0xFFFFFFFF  }
0x98: {  	s18 =	sld [smem:$0x11];
	(tm) =	ssettm $0x1  }
0x99: {  	s19 =	sld [smem:$0x3FFB];
	_ =	sdelay $0x3  }
0x9a: {  	_ =	strace s19  }
0x9b: {  	s7 =	sld [smem:$0x3FFC];
	_ =	sdelay $0x3  }
0x9c: {  	_ =	strace s7  }
0x9d: {  	s7 =	sld [smem:$0x3FFD];
	_ =	sdelay $0x3  }
0x9e: {  	_ =	strace s7  }
0x9f: {  	_ =	strace $0x8FFFFFFF  }
0xa0: {  	s20 =	sld [smem:$0x3FDB];
	_ =	sdelay $0x1  }
0xa1: {  	s8 =	simm.s32 $_scs_section_size  }
0xa2: {  	s9 =	simm.s32 $_size__tile_overlayer_lowered;
	s10 =	simm.s32 $_tile_overlayer_lowered  }
0xa3: {  	s23 =	simm.s32 $0x1BFF;
	s22 =	sshll.u32 s10, $0x1;
	s7 =	sadd.s32 s8, s20  }
0xa4: {  	s11 =	simm.s32 $0x0;
	s21 =	sshll.u32 s9, $0x1;
	s9 =	sadd.s32 s22, s7  }
0xa5: {  	[timem:s11], [sflag:s23] =	dma.local [hbm:s9], s21  }
0xa6: {  	_ =	swait.ge [sflag:s23], s21  }
0xa7: {  	s8 =	ssub.s32 $0x0, s21;
	[sflag:s23] =	ssyncset.done $0x0  }
0xa8: {  	[sflag:s23] =	ssyncadd.s32 s8;
	_ =	sdelay $0x1  }
0xa9: {  	s24 =	simm.s32 $0x1B8B  }
0xaa: {  	_ =	swait.ge [sflag:s24], $0x1  }
0xab: {  	[sflag:s24] =	ssyncset.done $0x0  }
0xac: {  	s25 =	simm.s32 $0x1B8E;
	[sflag:s24] =	ssyncadd.s32 $0xFFFFFFFF  }
0xad: {  	s26 =	simm.s32 $execute0_lowered;
	[smem:$0x3FD2] =	sst s25  }
0xae: {  	s8 =	sshll.u32 s26, $0x1;
	_ =	strace $0x80000046;
	[dreg:$0x1] =	wrdreg $0xFFFFFFFF  }
0xaf: {  	s28 =	simm.s32 $_size_execute0_lowered;
	s7 =	sadd.s32 s7, s8;
	[dreg:$0x0] =	wrdreg $0x0  }
0xb0: {  	s8 =	sshll.u32 s28, $0x1;
	[dreg:$0x2] =	wrdreg s7  }
0xb1: {  	[dreg:$0x3] =	wrdreg s8  }
0xb2: {  	[dreg:$0x4] =	wrdreg $0xC0  }
0xb3: {  	_ =	task [dreg:s11], $0x5FFFF  }
0xb4: {  	[dreg:$0x1] =	wrdreg $0xFFFFFFFF  }
0xb5: {  	[dreg:$0x0] =	wrdreg $0x60  }
0xb6: {  	[dreg:$0x2] =	wrdreg s16  }
0xb7: {  	[dreg:$0x3] =	wrdreg s4  }
0xb8: {  	[dreg:$0x4] =	wrdreg s5  }
0xb9: {  	[dreg:$0x5] =	wrdreg s17  }
0xba: {  	[dreg:$0x6] =	wrdreg s18  }
0xbb: {  	[dreg:$0x7] =	wrdreg $0x9  }
0xbc: {  	_ =	task.clear_ibuf [dreg:s11], $0x8FFFF;
	_ =	strace $0x90000046  }
0xbd: {  	s29 =	simm.s32 $0x9;
	_ =	strace $0x80000048  }
0xbe: {  	_ =	swait.ge [sflag:s29], $0x1  }
0xbf: {  	[sflag:s29] =	ssyncadd.s32 $0xFFFFFFFF  }
0xc0: {  	_ =	strace $0x90000048  }
0xc1: {  	_ =	sfence  }
0xc2: {  	s30 =	sld [smem:$0x0];
	_ =	sdelay $0x2  }
0xc3: {  	s31 =	sshll.u32 s1, $0xD;
	s1 =	sshrl.u32 s1, $0x2  }
0xc4: {  	s3 =	sand.u32 $0x4000, s31;
	s1 =	sadd.s32 s1, s30  }
0xc5: {  	s0 =	sor.u32 s3, s0;
	s1 =	sshll.u32 s1, $0x11  }
0xc6: {  	s0 =	sor.u32 s1, s0  }
0xc7: {  	s0 =	sadd.s32 $0x8F2B, s0  }
0xc8: {  	[sflag:s0] =	ssyncadd.remote.s32 $0x1  }
0xc9: {  	_ =	sfence.sel $0xFFFF  }
0xca: {  	[dreg:$0x0] =	wrdreg $0xFFFFFFFF;
	(pc) =	sbr.abs _section_cstart, $3  }
0xcb: {  	[dreg:$0x1] =	wrdreg $0xFFFFFFFF  }
0xcc: {  	_ =	task.clear_ibuf [dreg:s11], $0x2FFFF;
	_ =	strace $0x9FFFFFFF  }
0xcd: {  	(tm) =	ssettm $0x7FFFFFFF  }
tec
execute0_lowered:
.L_overlay_start_1:
0x0: {  	(tag) =	ssettag $0x1  }
0x1: {  	s7 =	rddreg [dreg:$0x0]  }
0x2: {  	s2 =	rddreg [dreg:$0x2]  }
0x3: {  	s5 =	rddreg [dreg:$0x3];
	s0 =	srdreg.scid  }
0x4: {  	s6 =	rddreg [dreg:$0x4];
	s8 =	stileid.u32;
	s24 =	simm.s32 $0x0  }
0x5: {  	s18 =	simm.s32 $0x3;
	s19 =	simm.s32 $0x1;
	s20 =	simm.s32 $0x6100  }
0x6: {  	s28 =	simm.s32 $0x4;
	s0 =	sand.u32 $0x1, s0;
	s1 =	smul.u32 $0x50, s8  }
0x7: {  	[smem:$0x7FF] =	sst s24;
	s9 =	smul.u32 $0xC350, s0;
	s0 =	ssub.s32 $0x2, s0  }
0x8: {  	s4 =	smul.u32 $0xC35, s8;
	s26 =	ssub.s32 $0x280, s8;
	s3 =	sshrl.u32 s0, $0x1  }
0x9: {  	_ =	strace $0x80000047;
	s1 =	sadd.s32 s1, s9;
	s0 =	ssub.s32 s0, s3  }
0xa: {  	[smem:$0x7FD] =	sst s9;
	s31 =	sadd.s32 $0xF00, s9;
	s1 =	sshll.u32 s1, $0x4  }
.Ltmp0:
0xb: {  	[dreg:$0x9] =	wrdreg s31;
	s0 =	smax.u32 s0, $0x1;
	(pc) =	sbr.rel .LBB2_1-.Ltmp0, $4  }
0xc: {  	s10 =	sshrl.u32 s26, $0x4;
	s7 =	sadd.s32 s7, s1;
	[dreg:$0xa] =	wrdreg s0  }
0xd: {  	v2 =	vimm.s32 $0xFFFFFFFF;
	v3 =	vlaneseq.u32;
	s25 =	sadd.s32 s4, s9;
	s1 =	sadd.s32 $0x5000, s7;
	[dreg:$0x6] =	wrdreg s7  }
0xe: {  	v4 =	vimm.f32 $0.0e+00;
	v5 =	vor.u32 $0x10, v3;
	v6 =	vor.u32 $0x20, v3;
	s29 =	sadd.s32 $0xC35, s25;
	s30 =	sadd.s32 $0xA000, s7;
	[dreg:$0x7] =	wrdreg s1  }
0xf: {  	v7 =	vor.u32 $0x30, v3;
	v0 =	vmov s25;
	s25 =	simm.s32 $0x40;
	v1 =	vmov s29;
	[dreg:$0x8] =	wrdreg s30;
	s1 =	simm.s32 $0x0  }
.LBB2_38:
0x10: {  	[sflag:s28] =	ssyncadd.s32 $0xFFFFE000;
	s1 =	rddreg [dreg:$0xb]  }
.LBB2_39:
0x11: {  	s1 =	sadd.s32 $0x1, s1;
	s0 =	rddreg [dreg:$0xa]  }
0x12: {  	p0 =	sne.s32 s1, s0  }
.Ltmp1:
0x13: {  	_ = 	snop;
	(pc) =	sbr.rel @!p0 .LBB2_40-.Ltmp1, $1  }
0x14: {  	_ =	sdelay $0x3  }
.LBB2_1:
0x15: {  	[dreg:$0xb] =	wrdreg s1  }
0x16: {  	s0 =	rddreg [dreg:$0x1]  }
0x17: {  	s22 =	rddreg [dreg:$0x6]  }
0x18: {  	[tilespmem:s24], [sflag:$0x3] =	stream.linear.gather [hbm4b:s0+s24], $0x4000, $0x38;
	[tilespmem:$0x1F580] =	vst v63  }
0x19: {  	s23 =	simm.s32 $0x12D80;
	s26 =	rddreg [dreg:$0x7]  }
0x1a: {  	[tilespmem:s23], [sflag:$0x1] =	stream.linear.gather [hbm4b:s22+s24], $0x2800, $0x38;
	[tilespmem:$0x1F580] =	vst v63  }
0x1b: {  	s29 =	simm.s32 $0x15580;
	s30 =	rddreg [dreg:$0x8]  }
0x1c: {  	[tilespmem:s29], [sflag:$0x1] =	stream.linear.gather [hbm4b:s26+s24], $0x2800, $0x38;
	[tilespmem:$0x1F580] =	vst v63  }
0x1d: {  	s31 =	simm.s32 $0x17D80;
	s1 =	simm.s32 $0x0;
	s0 =	simm.s32 $0x40  }
0x1e: {  	[tilespmem:s31], [sflag:$0x1] =	stream.linear.gather [hbm4b:s30+s24], $0x2800, $0x38;
	[tilespmem:$0x1F580] =	vst v63  }
.LBB2_2:
0x1f: {  	p0 =	sne.s32 s0, $0x30C0;
	[tilespmem:s1+$0x6100] =	vst v2;
	s1 =	smov.u32 s0;
	s0 =	sadd.s32 $0x40, s0  }
.Ltmp2:
0x20: {  	(pc) =	sbr.rel @p0 .LBB2_2-.Ltmp2, $2  }
0x21: {  	_ =	sdelay $0x2  }
0x22: {  	s1 =	sshra.s32 s1, $0x2  }
.Ltmp3:
0x23: {  	(pc) =	sbr.rel .LBB2_4-.Ltmp3, $4  }
0x24: {  	[tilespmem:s1+$0x6100] =	vst v2  }
0x25: {  	_ =	swait.ge [sflag:s18], $0x4000  }
0x26: {  	s31 =	simm.s32 $0x0;
	[sflag:s18] =	ssyncset.done $0x0  }
0x27: {  	s3 =	simm.s32 $0x0;
	s30 =	simm.s32 $0x0;
	[sflag:s18] =	ssyncadd.s32 $0xFFFFC000  }
.LBB2_10:
0x28: {  	s30 =	sadd.s32 $0x1, s30  }
0x29: {  	p0 =	sne.s32 s30, s10  }
.Ltmp4:
0x2a: {  	_ = 	snop;
	(pc) =	sbr.rel @!p0 .LBB2_11-.Ltmp4, $2  }
0x2b: {  	_ =	sdelay $0x2  }
0x2c: {  	s31 =	sadd.s32 $0x1B, s31  }
.LBB2_4:
0x2d: {  	s0 =	sadd.s32 $0x3, s30  }
0x2e: {  	s1 =	smulhi.u32 $0xCCCCCCCD, s30;
	s7 =	sshll.u32 s30, $0x4;
	_ =	swait.ge [sflag:s19], $0x2800  }
0x2f: {  	p1 =	slt.u32 s30, $0x2;
	s9 =	stileid.u32;
	p0 =	sge.u32 s0, s10  }
0x30: {  	[sflag:s19] =	ssyncset.done $0x0;
	s8 =	simm.s32 @!p1 $0x2;
	s4 =	smulhi.u32 @!p0 $0xCCCCCCCD, s0  }
0x31: {  	s7 =	sor.u32 s9, s7;
	s1 =	sshrl.u32 s1, $0x2;
	[sflag:s19] =	ssyncadd.s32 $0xFFFFD800  }
0x32: {  	s1 =	smul.u32 $0x5, s1;
	_ =	swait.ge @!p1 [sflag:s8], $0x2800;
	s4 =	sshrl.u32 @!p0 s4, $0x2  }
0x33: {  	[sflag:s8] =	ssyncset.done @!p1 $0x0;
	s17 =	sld [smem:$0x7FD];
	s4 =	smul.u32 @!p0 $0x5, s4  }
0x34: {  	s7 =	smul.u32 $0x50, s7;
	[sflag:s8] =	ssyncadd.s32 @!p1 $0xFFFFD800;
	s1 =	ssub.s32 s30, s1  }
0x35: {  	s8 =	rddreg [dreg:$0x9];
	s1 =	smul.u32 $0xA000, s1;
	s0 =	ssub.s32 @!p0 s0, s4  }
0x36: {  	s4 =	sadd.s32 s17, s7;
	s7 =	sadd.s32 @!p0 s7, s8;
	s0 =	smul.u32 @!p0 $0xA000, s0  }
0x37: {  	s23 =	smul.u32 $0x1B, s30;
	s8 =	rddreg [dreg:$0x0];
	s7 =	sshll.u32 @!p0 s7, $0x4  }
0x38: {  	s21 =	sshrl.u32 s1, $0x2;
	s22 =	sshll.u32 s4, $0x4;
	s0 =	sshrl.u32 @!p0 s0, $0x2  }
0x39: {  	s7 =	sadd.s32 @!p0 s8, s7;
	s8 =	simm.s32 @!p0 $0x0;
	s0 =	sadd.s32 @!p0 $0x12D80, s0  }
0x3a: {  	[tilespmem:s0], [sflag:$0x1] =	stream.linear.gather @!p0 [hbm4b:s7+s8], $0x2800, $0x38;
	[tilespmem:$0x1F580] =	vst v63  }
0x3b: {  	s26 =	smin.u32 s23, $0x3E5;
	s1 =	sadd.s32 s5, s22;
	s0 =	sadd.s32 $0x12D80, s21  }
0x3c: {  	[hbm4b:s1+s24] =	stream.linear.scatter [tilespmem:s0], [sflag:$0x2], $0x2800, $0x38;
	[tilespmem:$0x1F580] =	vst v63  }
0x3d: {  	s15 =	sadd.s32 $0x1B, s26;
	s0 =	smin.u32 s23, $0x400  }
0x3e: {  	s4 =	ssub.s32 s15, s0  }
0x3f: {  	s29 =	sshll.u32 s4, $0x10  }
0x40: {  	s1 =	sshra.s32 s29, $0x1F  }
0x41: {  	s1 =	sand.u32 $0x7, s1  }
0x42: {  	s1 =	sadd.s32 s1, s4  }
0x43: {  	s1 =	sand.u32 $0xFFF8, s1  }
0x44: {  	s1 =	ssub.s32 s4, s1  }
0x45: {  	s1 =	sshll.u32 s1, $0x10  }
0x46: {  	s1 =	sshra.s32 s1, $0x10  }
0x47: {  	s4 =	ssub.s32 s4, s1  }
0x48: {  	p0 =	slt.s32 s4, $0x1  }
.Ltmp5:
0x49: {  	_ = 	snop;
	(pc) =	sbr.rel @p0 .LBB2_7-.Ltmp5, $2  }
0x4a: {  	_ =	sdelay $0x2  }
0x4b: {  	s16 =	sadd.s32 s0, s4  }
0x4c: {  	s4 =	smin.u32 s31, $0x400  }
0x4d: {  	s4 =	sshll.u32 s4, $0x4  }
0x4e: {  	s7 =	sadd.s32 $0x40, s4  }
0x4f: {  	v13 =	vld [tilespmem:s7+$0x30]  }
0x50: {  	v12 =	vld [tilespmem:s7+$0x20]  }
0x51: {  	v10 =	vld [tilespmem:s7+$0x10]  }
0x52: {  	v14 =	vld [tilespmem:s7+$0x0]  }
0x53: {  	v11 =	vld [tilespmem:s7+$0xFFFFFFF0]  }
0x54: {  	v9 =	vld [tilespmem:s7+$0xFFFFFFE0]  }
0x55: {  	v22 =	vld [tilespmem:s7+$0xFFFFFFC0]  }
0x56: {  	v8 =	vld [tilespmem:s7+$0xFFFFFFD0]  }
0x57: {  	vm0 =	vge.s32 v12, v0;
	vm15 =	vge.s32 v13, v0;
	vm14 =	vlt.s32 v13, v1  }
0x58: {  	vm1 =	vge.s32 v10, v0;
	vm3 =	vlt.s32 v10, v1;
	vm4 =	vlt.s32 v12, v1  }
0x59: {  	vm5 =	vge.s32 v11, v0;
	vm6 =	vge.s32 v14, v0;
	vm7 =	vlt.s32 v14, v1  }
0x5a: {  	vm2 =	vge.s32 v22, v0;
	vm8 =	vlt.s32 v22, v1;
	vm10 =	vge.s32 v9, v0  }
0x5b: {  	s17 =	sadd.s32 $0x70, s4;
	s4 =	sadd.s32 $0x8, s0;
	vm9 =	vmand vm2, vm8;
	vm2 =	vge.s32 v8, v0;
	vm8 =	vlt.s32 v8, v1  }
0x5c: {  	p1 =	slt.u32 s4, s16;
	v15 =	vmpcnt.ones.xlane vm9;
	vm13 =	vmand vm2, vm8;
	vm2 =	vlt.s32 v9, v1  }
.Ltmp6:
0x5d: {  	vm8 =	vlt.s32 v11, v1;
	v16 =	vmpcnt.ones.xlane vm13;
	vm2 =	vmand vm10, vm2;
	(pc) =	sbr.rel @!p1 .LBB2_6-.Ltmp6, $4  }
0x5e: {  	vm11 =	vmand vm5, vm8;
	v17 =	vmpcnt.ones.xlane vm2;
	(v2sf) =	vpush v15, $0x0  }
0x5f: {  	vm12 =	vmand vm0, vm4;
	v15 =	vmpcnt.ones.xlane vm11;
	(v2sf) =	vpush v16, $0x0  }
0x60: {  	vm5 =	vmand vm6, vm7;
	vm6 =	vmand vm1, vm3;
	(v2sf) =	vpush v17, $0x0  }
0x61: {  	p6 =	por $0x0, $0x0;
	s26 =	sadd.s32 $0xFFFFFF90, s17;
	s0 =	sadd.s32 $0x80, s7;
	v25 =	vmpcnt.ones.xlane vm5;
	v24 =	vmpcnt.ones.xlane vm6;
	(v2sf) =	vpush v15, $0x0  }
0x62: {  	v15 =	vld [tilespmem:s0+$0x10]  }
0x63: {  	v16 =	vmpcnt.ones.xlane vm12;
	vm1 =	vmand vm15, vm14;
	v17 =	vld [tilespmem:s0+$0x0];
	(v2sf) =	vpush v25, $0x0  }
0x64: {  	v20 =	vld [tilespmem:s0+$0xFFFFFFF0];
	vm0 =	vmmov vm9;
	v18 =	vmpcnt.ones.xlane vm1;
	(v2sf) =	vpush v24, $0x0  }
0x65: {  	v19 =	vld [tilespmem:s0+$0xFFFFFFD0];
	v21 =	vimm.s32 $0x0;
	vm1 =	vmmov vm1;
	(v2sf) =	vpush v16, $0x0  }
0x66: {  	vm7 =	vmmov vm13;
	v21 =	vsel vm1, $0xFFFFFFFF, v21;
	v16 =	vld [tilespmem:s0+$0xFFFFFFC0];
	(v2sf) =	vpush v18, $0x0  }
0x67: {  	vm8 =	vmmov vm2;
	vm1 =	vmmov vm5;
	v18 =	vld [tilespmem:s0+$0xFFFFFFE0];
	[tilespmem:$0x1FFC0] =	vst v21;
	v21 =	vimm.s32 $0x0  }
0x68: {  	vm10 =	vmmov vm11;
	v24 =	vor.u32 s26, v3;
	v21 =	vsel vm1, $0xFFFFFFFF, v21  }
0x69: {  	vm1 =	vmmov vm12;
	vm3 =	vge.s32 v20, v0;
	[tilespmem:$0x1FFD0] =	vst v21;
	v21 =	vimm.s32 $0x0  }
0x6a: {  	vm4 =	vge.s32 v17, v0;
	v21 =	vsel vm1, $0xFFFFFFFF, v21;
	vm1 =	vmmov vm6  }
0x6b: {  	[tilespmem:$0x1FFE0] =	vst v21;
	v21 =	vimm.s32 $0x0;
	vm2 =	vge.s32 v16, v0;
	vm5 =	vlt.s32 v16, v1  }
0x6c: {  	p0 =	slt.s32 s3, $0xFF0;
	s12 =	smov.u32 s3;
	v21 =	vsel vm1, $0xFFFFFFFF, v21;
	vm1 =	vge.s32 v15, v0;
	vm6 =	vge.s32 v18, v0  }
0x6d: {  	s22 =	sadd.s32 $0x8, s4;
	s21 =	sadd.s32 $0x80, s17;
	vm9 =	vmand vm2, vm5;
	vm2 =	vge.s32 v19, v0;
	vm5 =	vlt.s32 v19, v1;
	s11 =	spop (v2sf)  }
0x6e: {  	s12 =	simm.s32 @!p0 $0xFF0;
	[tilespmem:$0x1FFF0] =	vst v21;
	vm13 =	vmand vm2, vm5;
	vm2 =	vlt.s32 v18, v1;
	vm5 =	vlt.s32 v20, v1;
	s8 =	sadd.s32 s3, s11;
	s13 =	spop (v2sf)  }
0x6f: {  	p6 =	slt.u32 s22, s16;
	v25 =	vmpcnt.ones.xlane vm9;
	v21 =	vld [tilespmem:s0+$0x20];
	vm2 =	vmand vm6, vm2;
	vm6 =	vlt.s32 v17, v1;
	s7 =	sadd.s32 s8, s13;
	s14 =	spop (v2sf)  }
0x70: {  	s26 =	sadd.s32 $0xFFFFFF90, s21;
	v23 =	vld [tilespmem:s0+$0x30];
	vm11 =	vmand vm3, vm5;
	vm3 =	vlt.s32 v15, v1;
	v26 =	vmpcnt.ones.xlane vm13;
	p1 =	slt.s32 s8, $0xFF0;
	s11 =	sadd.s32 s7, s14  }
.Ltmp7:
0x71: {  	vm5 =	vmand vm4, vm6;
	v27 =	vmpcnt.ones.xlane vm2;
	(v2sf) =	vpush v25, $0x0;
	s23 =	spop (v2sf);
	p2 =	slt.s32 s7, $0xFF0;
	(pc) =	sbr.rel @!p6 .LBB2_24-.Ltmp7, $4  }
0x72: {  	vm6 =	vmand vm1, vm3;
	v28 =	vmpcnt.ones.xlane vm11;
	(v2sf) =	vpush v26, $0x0;
	s9 =	sadd.s32 s11, s23;
	p3 =	slt.s32 s11, $0xFF0;
	s24 =	spop (v2sf)  }
0x73: {  	[tilespmem:s12+$0x4000] =	vst.msk vm0, v24;
	v25 =	vmpcnt.ones.xlane vm5;
	v24 =	vmpcnt.ones.xlane vm6;
	(v2sf) =	vpush v27, $0x0;
	p4 =	slt.s32 s9, $0xFF0;
	s23 =	sadd.s32 s9, s24;
	s13 =	spop (v2sf)  }
0x74: {  	(v2sf) =	vpush v28, $0x0;
	vm4 =	vge.s32 v21, v0;
	vm1 =	vlt.s32 v21, v1;
	s24 =	sadd.s32 $0x80, s0;
	s29 =	sadd.s32 s23, s13;
	s14 =	spop (v2sf)  }
0x75: {  	[tilespmem:s12+$0x5080] =	vst.msk vm0, v22;
	vm15 =	vge.s32 v23, v0;
	vm14 =	vlt.s32 v23, v1;
	vm12 =	vmand vm4, vm1;
	p5 =	slt.s32 s23, $0xFF0;
	s0 =	sadd.s32 s29, s14;
	s4 =	spop (v2sf)  }
.LBB2_25:
0x76: {  	v26 =	vmpcnt.ones.xlane vm12;
	(v2sf) =	vpush v25, $0x0  }
0x77: {  	(v2sf) =	vpush v24, $0x0  }
0x78: {  	(v2sf) =	vpush v26, $0x0;
	v26 =	vld [tilespmem:$0x1FFC0];
	_ =	sdelay $0x1  }
0x79: {  	vm0 =	vmmov vm9;
	v25 =	vimm.s32 $0x0  }
0x7a: {  	s12 =	simm.s32 @!p1 $0x0;
	v25 =	vsel vm0, $0xFFFFFFFF, v25  }
0x7b: {  	vm3 =	vmmov vm13;
	s12 =	simm.s32 @p1 $0x1;
	p1 =	slt.s32 s0, $0xFF0;
	[tilespmem:$0x1FFA0] =	vst v25;
	v25 =	vimm.s32 $0x0  }
0x7c: {  	s4 =	sadd.s32 s0, s4;
	v24 =	vor.u32 s17, v3;
	s0 =	simm.s32 @!p1 $0xFF0;
	v25 =	vsel vm3, $0xFFFFFFFF, v25;
	vm3 =	vnez.u8 v26  }
0x7d: {  	v22 =	vld [tilespmem:s24+$0x30];
	vm1 =	vmand vm15, vm14;
	[tilespmem:s0+$0x4000] =	vst.msk vm3, v24  }
0x7e: {  	vm13 =	vmmov vm2;
	vm2 =	vmmov vm1;
	[tilespmem:s0+$0x5080] =	vst.msk vm3, v13;
	v13 =	vmovc v23;
	v23 =	vimm.s32 $0x0  }
0x7f: {  	v23 =	vsel vm2, $0xFFFFFFFF, v23  }
0x80: {  	[tilespmem:$0x1FFC0] =	vst v23;
	v23 =	vld [tilespmem:$0x1FFE0];
	_ =	sdelay $0x3  }
0x81: {  	s13 =	sadd.s32 $0xFFFFFFF0, s17;
	v27 =	vmpcnt.ones.xlane vm1;
	vm1 =	vmmov vm11;
	[smem:$0x7FC] =	sst s12;
	vm0 =	vmmov vm7  }
0x82: {  	v26 =	vor.u32 s13, v3;
	s13 =	sld [smem:$0x7FC];
	vm7 =	vnez.u8 v23;
	v23 =	vimm.s32 $0x0  }
0x83: {  	v23 =	vsel vm1, $0xFFFFFFFF, v23  }
0x84: {  	p0 =	slt.s32 s29, $0xFF0;
	v29 =	vor.u32 s26, v3;
	s26 =	sadd.s32 $0xFFFFFFA0, s17;
	[tilespmem:$0x1FFB0] =	vst v23;
	v23 =	vld [tilespmem:$0x1FFD0]  }
0x85: {  	s29 =	simm.s32 @!p0 $0xFF0;
	s12 =	smov.u32 s8;
	p0 =	seq.s32 s13, $0x1  }
0x86: {  	v61 =	vld [tilespmem:s24+$0xFFFFFFD0];
	v31 =	vor.u32 s26, v3;
	[tilespmem:$0x1FF90] =	vst v25;
	s12 =	simm.s32 @!p0 $0xFF0  }
0x87: {  	(v2sf) =	vpush v27, $0x0;
	v27 =	vld [tilespmem:s24+$0xFFFFFFF0];
	[tilespmem:s12+$0x4000] =	vst.msk vm0, v31  }
0x88: {  	s13 =	sadd.s32 $0xFFFFFFB0, s17;
	[tilespmem:s12+$0x5080] =	vst.msk vm0, v8;
	v8 =	vld [tilespmem:$0x1FFA0]  }
0x89: {  	vm4 =	vmmov vm8;
	s14 =	smov.u32 s7;
	v25 =	vld [tilespmem:s24+$0x20];
	v32 =	vor.u32 s13, v3;
	[tilespmem:s29+$0x4000] =	vst.msk vm7, v26;
	vm1 =	vnez.u8 v23  }
0x8a: {  	s14 =	simm.s32 @!p2 $0xFF0;
	v26 =	vld [tilespmem:s24+$0xFFFFFFE0];
	[tilespmem:s29+$0x5080] =	vst.msk vm7, v12;
	v12 =	vmovc v21;
	v21 =	vimm.s32 $0x0;
	vm3 =	vmmov vm1;
	vm1 =	vmmov vm5  }
0x8b: {  	[tilespmem:s14+$0x4000] =	vst.msk vm4, v32;
	v23 =	vmov v22;
	v22 =	vld [tilespmem:s24+$0xFFFFFFC0];
	v21 =	vsel vm1, $0xFFFFFFFF, v21  }
0x8c: {  	p6 =	slt.s32 s4, $0xFF0;
	s0 =	smov.u32 s4;
	[tilespmem:$0x1FFD0] =	vst v21;
	v21 =	vld [tilespmem:$0x1FFF0]  }
0x8d: {  	s7 =	sadd.s32 $0xFFFFFFE0, s17;
	s26 =	sadd.s32 $0xFFFFFFD0, s17;
	s0 =	simm.s32 @!p6 $0xFF0;
	[tilespmem:s14+$0x5080] =	vst.msk vm4, v9;
	vm0 =	vnez.u8 v8  }
0x8e: {  	v62 =	vimm.s32 $0x0;
	v30 =	vor.u32 s7, v3;
	v33 =	vor.u32 s26, v3;
	v24 =	vld [tilespmem:s24+$0x0];
	[tilespmem:s0+$0x4000] =	vst.msk vm0, v29  }
0x8f: {  	s9 =	simm.s32 @!p4 $0xFF0;
	vm2 =	vmmov vm10;
	vm7 =	vge.s32 v27, v0;
	vm4 =	vlt.s32 v27, v1;
	[tilespmem:s0+$0x5080] =	vst.msk vm0, v16  }
0x90: {  	vm11 =	vge.s32 v26, v0;
	vm5 =	vmmov vm12;
	[tilespmem:s9+$0x4000] =	vst.msk vm3, v33;
	vm9 =	vge.s32 v22, v0  }
0x91: {  	s23 =	simm.s32 @!p5 $0xFF0;
	[tilespmem:s9+$0x5080] =	vst.msk vm3, v14;
	vm8 =	vlt.s32 v22, v1;
	v16 =	vmovc v22;
	v22 =	vld [tilespmem:$0x1FFB0];
	vm1 =	vnez.u8 v21;
	v21 =	vmovc v25;
	v25 =	vimm.s32 $0x0  }
0x92: {  	v28 =	vld [tilespmem:s24+$0x10];
	vm15 =	vge.s32 v23, v0;
	vm14 =	vlt.s32 v23, v1;
	[tilespmem:s23+$0x4000] =	vst.msk vm1, v30;
	v25 =	vsel vm5, $0xFFFFFFFF, v25  }
0x93: {  	s13 =	sadd.s32 $0xFFFFFFC0, s17;
	vm3 =	vlt.s32 v24, v1;
	vm9 =	vmand vm9, vm8;
	vm8 =	vlt.s32 v61, v1;
	[tilespmem:$0x1FFE0] =	vst v25  }
0x94: {  	s11 =	simm.s32 @!p3 $0xFF0;
	vm12 =	vge.s32 v21, v0;
	vm5 =	vge.s32 v24, v0;
	v25 =	vor.u32 s13, v3;
	[tilespmem:s23+$0x5080] =	vst.msk vm1, v10  }
0x95: {  	s22 =	sadd.s32 $0x8, s22;
	s17 =	smov.u32 s21;
	s21 =	sadd.s32 $0x80, s21;
	vm10 =	vlt.s32 v21, v1;
	vm1 =	vmmov vm6;
	vm5 =	vmand vm5, vm3;
	[tilespmem:s11+$0x4000] =	vst.msk vm2, v25  }
0x96: {  	p6 =	slt.u32 s22, s16;
	s26 =	sadd.s32 $0xFFFFFF90, s21;
	s9 =	spop (v2sf);
	vm12 =	vmand vm12, vm10;
	vm10 =	vnez.u8 v22;
	[tilespmem:s11+$0x5080] =	vst.msk vm2, v11;
	vm2 =	vge.s32 v61, v0  }
0x97: {  	s24 =	sadd.s32 $0x80, s24;
	s8 =	sadd.s32 s4, s9;
	v10 =	vmovc v15;
	v15 =	vmovc v28;
	v28 =	vsel vm1, $0xFFFFFFFF, v62;
	v25 =	vmpcnt.ones.xlane vm9;
	s11 =	spop (v2sf);
	vm2 =	vmand vm2, vm8  }
0x98: {  	v9 =	vld [tilespmem:$0x1FF90];
	p1 =	slt.s32 s8, $0xFF0;
	vm8 =	vmmov vm13;
	s7 =	sadd.s32 s8, s11;
	s13 =	spop (v2sf);
	vm13 =	vmmov vm2;
	vm2 =	vlt.s32 v26, v1  }
.Ltmp8:
0x99: {  	v14 =	vmovc v17;
	v17 =	vmovc v24;
	vm6 =	vge.s32 v15, v0;
	s11 =	sadd.s32 s7, s13;
	s14 =	spop (v2sf);
	v24 =	vmpcnt.ones.xlane vm13;
	vm2 =	vmand vm11, vm2;
	(pc) =	sbr.rel @p6 .LBB2_25-.Ltmp8, $4  }
0x9a: {  	p2 =	slt.s32 s7, $0xFF0;
	(v2sf) =	vpush v25, $0x0;
	vm11 =	vmand vm7, vm4;
	s9 =	sadd.s32 s11, s14;
	s23 =	spop (v2sf);
	v63 =	vmpcnt.ones.xlane vm2  }
0x9b: {  	vm1 =	vlt.s32 v15, v1;
	v11 =	vmovc v20;
	v20 =	vmovc v27;
	p3 =	slt.s32 s11, $0xFF0;
	v27 =	vmpcnt.ones.xlane vm11;
	s23 =	sadd.s32 s9, s23;
	s13 =	spop (v2sf);
	(v2sf) =	vpush v24, $0x0  }
0x9c: {  	v8 =	vmovc v19;
	v19 =	vmovc v61;
	vm6 =	vmand vm6, vm1;
	v25 =	vmpcnt.ones.xlane vm5;
	p4 =	slt.s32 s9, $0xFF0;
	s29 =	sadd.s32 s23, s13;
	s14 =	spop (v2sf);
	(v2sf) =	vpush v63, $0x0  }
0x9d: {  	[tilespmem:$0x1FFF0] =	vst v28;
	vm7 =	vnez.u8 v9;
	v9 =	vmovc v18;
	v18 =	vmovc v26;
	p5 =	slt.s32 s23, $0xFF0;
	v24 =	vmpcnt.ones.xlane vm6;
	s0 =	sadd.s32 s29, s14;
	s4 =	spop (v2sf);
	(v2sf) =	vpush v27, $0x0  }
0x9e: {  	v30 =	vmov v10;
	v10 =	vmov v15;
	v15 =	vld [tilespmem:$0x1FFC0];
	_ =	sdelay $0x4  }
0x9f: {  	vm1 =	vnez.u8 v15;
	v15 =	vld [tilespmem:$0x1FFF0];
	_ =	sdelay $0x4  }
0xa0: {  	vm3 =	vnez.u8 v15;
	v15 =	vld [tilespmem:$0x1FFD0];
	_ =	sdelay $0x4  }
0xa1: {  	vm4 =	vnez.u8 v15;
	v15 =	vld [tilespmem:$0x1FFE0];
	_ =	sdelay $0x2  }
0xa2: {  	vm0 =	vmmov vm14;
	v31 =	vmovc v13;
	v32 =	vmovc v12;
	v29 =	vmov v14;
	v28 =	vmov v11  }
0xa3: {  	s22 =	smov.u32 s17;
	v27 =	vmovc v9;
	v26 =	vmovc v8;
	v13 =	vmov v23;
	v12 =	vmov v21;
	v14 =	vmov v17  }
0xa4: {  	s17 =	smov.u32 s21;
	v11 =	vmovc v20;
	v9 =	vmovc v18;
	v8 =	vmov v19;
	v22 =	vmov v16;
	s24 =	simm.s32 $0x0;
	p6 =	por $0x1, $0x1;
	vm14 =	vnez.u8 v15  }
.LBB2_27:
0xa5: {  	v15 =	vmpcnt.ones.xlane vm12;
	(v2sf) =	vpush v25, $0x0  }
0xa6: {  	vm0 =	vmand vm15, vm0;
	(v2sf) =	vpush v24, $0x0  }
0xa7: {  	p0 =	slt.s32 @p6 s0, $0xFF0;
	v16 =	vmpcnt.ones.xlane vm0;
	(v2sf) =	vpush v15, $0x0  }
0xa8: {  	p0 =	por !p0, !p6  }
0xa9: {  	s4 =	sadd.s32 @p6 s0, s4;
	s0 =	simm.s32 @p0 $0xFF0;
	p0 =	slt.s32 @p6 s29, $0xFF0;
	v15 =	vor.u32 @p6 s22, v3;
	(v2sf) =	vpush v16, $0x0  }
0xaa: {  	s12 =	sadd.s32 @p6 $0xFFFFFFF0, s22;
	p0 =	por !p0, !p6;
	[tilespmem:s0+$0x4000] =	vst.msk @p6 vm1, v15  }
0xab: {  	v15 =	vor.u32 @p6 s12, v3;
	s29 =	simm.s32 @p0 $0xFF0;
	[tilespmem:s0+$0x5080] =	vst.msk @p6 vm1, v31  }
0xac: {  	p0 =	por !p5, !p6;
	s0 =	sadd.s32 @p6 $0xFFFFFFE0, s22;
	[tilespmem:s29+$0x4000] =	vst.msk @p6 vm14, v15  }
0xad: {  	s3 =	smov.u32 @p6 s4;
	s23 =	simm.s32 @p0 $0xFF0;
	v15 =	vor.u32 @p6 s0, v3;
	[tilespmem:s29+$0x5080] =	vst.msk @p6 vm14, v32  }
0xae: {  	s12 =	spop (v2sf);
	p0 =	por !p4, !p6;
	s0 =	sadd.s32 @p6 $0xFFFFFFD0, s22;
	[tilespmem:s23+$0x4000] =	vst.msk @p6 vm3, v15  }
0xaf: {  	vm1 =	vmmov @p6 vm4;
	s13 =	spop (v2sf);
	s9 =	simm.s32 @p0 $0xFF0;
	p0 =	por !p2, !p6;
	v15 =	vor.u32 @p6 s0, v3;
	[tilespmem:s23+$0x5080] =	vst.msk @p6 vm3, v30  }
0xb0: {  	s0 =	sadd.s32 @p6 $0xFFFFFFC0, s22;
	s7 =	simm.s32 @p0 $0xFF0;
	p0 =	por !p3, !p6;
	[tilespmem:s9+$0x4000] =	vst.msk @p6 vm1, v15  }
0xb1: {  	s14 =	spop (v2sf);
	vm3 =	vmmov @p6 vm10;
	v15 =	vor.u32 @p6 s0, v3;
	s0 =	sadd.s32 s3, s12;
	s11 =	simm.s32 @p0 $0xFF0;
	[tilespmem:s9+$0x5080] =	vst.msk @p6 vm1, v29  }
0xb2: {  	s21 =	spop (v2sf);
	s9 =	sadd.s32 @p6 $0xFFFFFFB0, s22;
	s4 =	sadd.s32 s0, s13;
	[tilespmem:s11+$0x4000] =	vst.msk @p6 vm3, v15  }
0xb3: {  	s12 =	sadd.s32 @p6 $0xFFFFFFA0, s22;
	vm1 =	vmmov @p6 vm8;
	p0 =	por !p1, !p6;
	v15 =	vor.u32 @p6 s9, v3;
	s9 =	sadd.s32 s4, s14;
	[tilespmem:s11+$0x5080] =	vst.msk @p6 vm3, v28  }
0xb4: {  	s8 =	simm.s32 @p0 $0xFF0;
	[tilespmem:s7+$0x4000] =	vst.msk @p6 vm1, v15;
	s11 =	sadd.s32 s9, s21;
	s14 =	spop (v2sf)  }
0xb5: {  	p0 =	slt.s32 s3, $0xFF0;
	vm3 =	vmmov @p6 vm7;
	v15 =	vor.u32 @p6 s12, v3;
	[tilespmem:s7+$0x5080] =	vst.msk @p6 vm1, v27;
	s7 =	sadd.s32 s11, s14;
	s22 =	spop (v2sf)  }
0xb6: {  	[tilespmem:s8+$0x4000] =	vst.msk @p6 vm3, v15;
	s14 =	smov.u32 s3;
	s12 =	sadd.s32 s7, s22;
	s23 =	spop (v2sf)  }
0xb7: {  	v56 =	vor.u32 s26, v3;
	vm7 =	vmmov vm9;
	[tilespmem:s8+$0x5080] =	vst.msk @p6 vm3, v26;
	s14 =	simm.s32 @!p0 $0xFF0;
	s8 =	sadd.s32 s12, s23  }
0xb8: {  	s29 =	spop (v2sf);
	[tilespmem:s14+$0x4000] =	vst.msk vm7, v56;
	p0 =	slt.s32 s8, $0xFF0  }
0xb9: {  	v57 =	vor.u32 s17, v3;
	vm0 =	vmmov vm0;
	s3 =	sadd.s32 s8, s29;
	[tilespmem:s14+$0x5080] =	vst.msk vm7, v22;
	s8 =	simm.s32 @!p0 $0xFF0  }
0xba: {  	s13 =	sadd.s32 $0xFFFFFFF0, s17;
	p0 =	slt.s32 s12, $0xFF0;
	[tilespmem:s8+$0x4000] =	vst.msk vm0, v57  }
0xbb: {  	vm8 =	vmmov vm12;
	v58 =	vor.u32 s13, v3;
	s12 =	simm.s32 @!p0 $0xFF0;
	[tilespmem:s8+$0x5080] =	vst.msk vm0, v13  }
0xbc: {  	s21 =	sadd.s32 $0xFFFFFFE0, s17;
	p0 =	slt.s32 s7, $0xFF0;
	[tilespmem:s12+$0x4000] =	vst.msk vm8, v58  }
0xbd: {  	vm9 =	vmmov vm6;
	v59 =	vor.u32 s21, v3;
	s7 =	simm.s32 @!p0 $0xFF0;
	[tilespmem:s12+$0x5080] =	vst.msk vm8, v12  }
0xbe: {  	vm10 =	vmmov vm5;
	s22 =	sadd.s32 $0xFFFFFFD0, s17;
	p0 =	slt.s32 s11, $0xFF0;
	[tilespmem:s7+$0x4000] =	vst.msk vm9, v59  }
0xbf: {  	vm1 =	vmmov vm10;
	v60 =	vor.u32 s22, v3;
	s11 =	simm.s32 @!p0 $0xFF0;
	[tilespmem:s7+$0x5080] =	vst.msk vm9, v10  }
0xc0: {  	vm12 =	vmmov vm11;
	s23 =	sadd.s32 $0xFFFFFFC0, s17;
	p0 =	slt.s32 s9, $0xFF0;
	[tilespmem:s11+$0x4000] =	vst.msk vm1, v60  }
0xc1: {  	v61 =	vor.u32 s23, v3;
	vm0 =	vmmov vm12;
	s9 =	simm.s32 @!p0 $0xFF0;
	[tilespmem:s11+$0x5080] =	vst.msk vm1, v14  }
0xc2: {  	s26 =	sadd.s32 $0xFFFFFFB0, s17;
	vm14 =	vmmov vm2;
	p0 =	slt.s32 s4, $0xFF0;
	[tilespmem:s9+$0x4000] =	vst.msk vm0, v61  }
0xc3: {  	v62 =	vor.u32 s26, v3;
	vm1 =	vmmov vm14;
	s4 =	simm.s32 @!p0 $0xFF0;
	[tilespmem:s9+$0x5080] =	vst.msk vm0, v11  }
0xc4: {  	vm15 =	vmmov vm13;
	s29 =	sadd.s32 $0xFFFFFFA0, s17;
	p0 =	slt.s32 s0, $0xFF0;
	[tilespmem:s4+$0x4000] =	vst.msk vm1, v62  }
0xc5: {  	v63 =	vor.u32 s29, v3;
	s0 =	simm.s32 @!p0 $0xFF0;
	vm0 =	vmmov vm15;
	[tilespmem:s4+$0x5080] =	vst.msk vm1, v9  }
0xc6: {  	[tilespmem:s0+$0x4000] =	vst.msk vm0, v63  }
0xc7: {  	[tilespmem:s0+$0x5080] =	vst.msk vm0, v8  }
.LBB2_7:
0xc8: {  	p0 =	sge.s32 s16, s15  }
.Ltmp9:
0xc9: {  	_ = 	snop;
	(pc) =	sbr.rel @p0 .LBB2_10-.Ltmp9, $1  }
0xca: {  	_ =	sdelay $0x3  }
0xcb: {  	s0 =	smin.u32 s31, $0x3E5;
	p0 =	slt.s32 s31, $0x3E5  }
0xcc: {  	s4 =	smov.u32 s31;
	s8 =	sshll.u32 s1, $0x6;
	s7 =	sshll.u32 s0, $0x6  }
0xcd: {  	s4 =	simm.s32 @!p0 $0x3E5;
	s22 =	ssub.s32 s0, s1;
	s7 =	ssub.s32 s7, s8  }
0xce: {  	s23 =	sadd.s32 s1, s4;
	s29 =	sshll.u32 s22, $0x4;
	s26 =	sshra.s32 s7, $0x2  }
0xcf: {  	s0 =	ssub.s32 s23, s0;
	s4 =	sadd.s32 $0x1B0, s29;
	s1 =	sadd.s32 $0x1B0, s26  }
.LBB2_9:
0xd0: {  	v8 =	vld [tilespmem:s1+$0x0];
	_ =	sdelay $0x4  }
0xd1: {  	vm0 =	vge.s32 v8, v0;
	vm1 =	vlt.s32 v8, v1  }
0xd2: {  	vm0 =	vmand vm0, vm1  }
0xd3: {  	v9 =	vmpcnt.ones.xlane vm0;
	_ =	sdelay $0x1  }
0xd4: {  	(v2sf) =	vpush v9, $0x0;
	_ =	sdelay $0x9  }
0xd5: {  	p0 =	slt.s32 s3, $0xFF0;
	s7 =	smov.u32 s3  }
0xd6: {  	s7 =	simm.s32 @!p0 $0xFF0;
	p0 =	sne.s32 s0, $0x1  }
.Ltmp10:
0xd7: {  	_ = 	snop;
	(pc) =	sbr.rel @p0 .LBB2_9-.Ltmp10, $4  }
0xd8: {  	_ = 	snop  }
0xd9: {  	v63 =	vor.u32 s4, v3  }
0xda: {  	s1 =	sadd.s32 $0x10, s1;
	[tilespmem:s7+$0x4000] =	vst.msk vm0, v63;
	s8 =	spop (v2sf)  }
0xdb: {  	s4 =	sadd.s32 $0x10, s4;
	s0 =	sadd.s32 $0xFFFFFFFF, s0;
	[tilespmem:s7+$0x5080] =	vst.msk vm0, v8;
	s3 =	sadd.s32 s3, s8  }
.Ltmp11:
0xdc: {  	_ = 	snop;
	(pc) =	sbr.rel .LBB2_10-.Ltmp11, $1  }
0xdd: {  	_ =	sdelay $0x3  }
.LBB2_6:
.Ltmp12:
0xde: {  	(pc) =	sbr.rel .LBB2_27-.Ltmp12, $2  }
0xdf: {  	_ =	sdelay $0x2  }
0xe0: {  	vm0 =	vmmov vm14  }
.LBB2_24:
0xe1: {  	v30 =	vmov v10;
	v10 =	vmov v15;
	v15 =	vld [tilespmem:$0x1FFC0];
	_ =	sdelay $0x4  }
0xe2: {  	vm1 =	vnez.u8 v15;
	v15 =	vld [tilespmem:$0x1FFF0];
	_ =	sdelay $0x4  }
0xe3: {  	vm3 =	vnez.u8 v15;
	v15 =	vld [tilespmem:$0x1FFD0];
	_ =	sdelay $0x4  }
0xe4: {  	vm4 =	vnez.u8 v15;
	v15 =	vld [tilespmem:$0x1FFE0]  }
.Ltmp13:
0xe5: {  	_ = 	snop;
	(pc) =	sbr.rel .LBB2_27-.Ltmp13, $4  }
0xe6: {  	_ = 	snop  }
0xe7: {  	vm0 =	vmmov vm14;
	v31 =	vmovc v13;
	v32 =	vmovc v12;
	v29 =	vmov v14;
	v28 =	vmov v11  }
0xe8: {  	s22 =	smov.u32 s17;
	v27 =	vmovc v9;
	v26 =	vmovc v8;
	v13 =	vmov v23;
	v12 =	vmov v21;
	v14 =	vmov v17  }
0xe9: {  	s17 =	smov.u32 s21;
	v11 =	vmovc v20;
	v9 =	vmovc v18;
	v8 =	vmov v19;
	v22 =	vmov v16;
	s24 =	simm.s32 $0x0;
	p6 =	por $0x1, $0x1;
	vm14 =	vnez.u8 v15  }
.LBB2_11:
0xea: {  	s0 =	sadd.s32 $0xF, s3  }
0xeb: {  	p0 =	slt.s32 s0, $0x10  }
.Ltmp14:
0xec: {  	_ = 	snop;
	(pc) =	sbr.rel @p0 .LBB2_18-.Ltmp14, $2  }
0xed: {  	_ =	sdelay $0x2  }
0xee: {  	v8 =	vmov s3;
	s8 =	simm.s32 $0x4000;
	s26 =	simm.s32 $0x8D80;
	s31 =	simm.s32 $0x6D80  }
.Ltmp15:
0xef: {  	(pc) =	sbr.rel .LBB2_13-.Ltmp15, $4  }
0xf0: {  	s1 =	sshra.s32 s0, $0x1F  }
0xf1: {  	s1 =	sshrl.u32 s1, $0x1C  }
0xf2: {  	s30 =	sadd.s32 s1, s0  }
0xf3: {  	s1 =	simm.s32 $0x0;
	s0 =	sshra.s32 s30, $0x4  }
.LBB2_15:
0xf4: {  	s1 =	sadd.s32 $0x1, s1  }
0xf5: {  	p0 =	sne.s32 s1, s0  }
.Ltmp16:
0xf6: {  	_ = 	snop;
	(pc) =	sbr.rel @!p0 .LBB2_16-.Ltmp16, $1  }
0xf7: {  	_ =	sdelay $0x3  }
.LBB2_13:
0xf8: {  	s4 =	sshll.u32 s1, $0x4  }
0xf9: {  	v10 =	vld [tilespmem:s4+$0x5080];
	_ =	sdelay $0x3  }
0xfa: {  	v9 =	vor.u32 s4, v3  }
0xfb: {  	vm0 =	vlt.s32 v9, v8;
	v10 =	vsub.s32 v10, v0  }
0xfc: {  	v10 =	vnsel vm0, $0x0, v10;
	_ =	sdelay $0x4  }
0xfd: {  	v11 =	vld.idx.msk [tilespmem:v10+s20+$0x0], $0xffff;
	_ =	sdelay $0x4  }
0xfe: {  	vm1 =	vgt.s32 v9, v11  }
0xff: {  	vm1 =	vmand vm0, vm1  }
0x100: {  	v11 =	vsel vm1, $0x3F800000, v4  }
0x101: {  	(xrf0) =	vmax.scan.msk.f32 $0xffff, v11;
	_ =	sdelay $0x5  }
0x102: {  	v11, _, _ =	vpop (xrf0)  }
0x103: {  	(v2sf) =	vpush v11, $0xF;
	_ =	sdelay $0xe  }
0x104: {  	s30 =	spop (v2sf)  }
0x105: {  	p0 =	sgt.f32 s30, $0.0e+00  }
.Ltmp17:
0x106: {  	_ = 	snop;
	(pc) =	sbr.rel @!p0 .LBB2_15-.Ltmp17, $1  }
0x107: {  	_ =	sdelay $0x3  }
.LBB2_14:
0x108: {  	[tilespmem:v10+s20+$0x0] =	vst.idx.msk vm1, v9  }
0x109: {  	v11 =	vld.idx.msk [tilespmem:v10+s20+$0x0], $0xffff;
	_ =	sdelay $0x4  }
0x10a: {  	vm1 =	vgt.s32 v9, v11  }
0x10b: {  	vm1 =	vmand vm0, vm1  }
0x10c: {  	v11 =	vsel vm1, $0x3F800000, v4  }
0x10d: {  	(xrf0) =	vmax.scan.msk.f32 $0xffff, v11;
	_ =	sdelay $0x5  }
0x10e: {  	v11, _, _ =	vpop (xrf0)  }
0x10f: {  	(v2sf) =	vpush v11, $0xF;
	_ =	sdelay $0xe  }
0x110: {  	s4 =	spop (v2sf)  }
0x111: {  	p0 =	sgt.f32 s4, $0.0e+00  }
.Ltmp18:
0x112: {  	_ = 	snop;
	(pc) =	sbr.rel @p0 .LBB2_14-.Ltmp18, $1  }
0x113: {  	_ =	sdelay $0x3  }
.Ltmp19:
0x114: {  	_ = 	snop;
	(pc) =	sbr.rel .LBB2_15-.Ltmp19, $1  }
0x115: {  	_ =	sdelay $0x3  }
.LBB2_16:
0x116: {  	s1 =	simm.s32 $0x5080;
	s4 =	simm.s32 $0x4000;
	s7 =	simm.s32 $0x0  }
.LBB2_17:
0x117: {  	v9 =	vld [tilespmem:s1+$0x0];
	_ =	sdelay $0x3  }
0x118: {  	v10 =	vor.u32 s7, v3  }
0x119: {  	vm0 =	vlt.s32 v10, v8;
	v11 =	vsub.s32 v9, v0  }
0x11a: {  	v11 =	vnsel vm0, $0x0, v11;
	_ =	sdelay $0x4  }
0x11b: {  	v11 =	vld.idx.msk [tilespmem:v11+s20+$0x0], $0xffff;
	_ =	sdelay $0x4  }
0x11c: {  	v11 =	vnsel vm0, $0x0, v11;
	_ =	sdelay $0x2  }
0x11d: {  	v12 =	vmov s7  }
0x11e: {  	v12 =	vshll.u32 v12, $0x1  }
0x11f: {  	v13 =	vand.u32 $0x3F, v10;
	v12 =	vand.u32 $0xFFFFFF80, v12;
	v11 =	vld.idx.msk [tilespmem:v11+s8+$0x0], $0xffff  }
0x120: {  	v12 =	vor.u32 v13, v12  }
0x121: {  	v63 =	vld [tilespmem:s4+$0x0];
	p0 =	sne.s32 s0, $0x1  }
.Ltmp20:
0x122: {  	_ = 	snop;
	(pc) =	sbr.rel @p0 .LBB2_17-.Ltmp20, $4  }
0x123: {  	_ = 	snop  }
0x124: {  	[tilespmem:v10+s24+$0x0] =	vst.idx.msk vm0, v11  }
0x125: {  	s1 =	sadd.s32 $0x10, s1;
	[tilespmem:v12+s26+$0x0] =	vst.idx.msk vm0, v9  }
0x126: {  	s4 =	sadd.s32 $0x10, s4;
	s7 =	sadd.s32 $0x10, s7;
	s0 =	sadd.s32 $0xFFFFFFFF, s0;
	[tilespmem:v12+s31+$0x0] =	vst.idx.msk vm0, v63  }
.LBB2_18:
0x127: {  	p0 =	slt.s32 s3, $0x1;
	s1 =	sand.u32 $0x3F, s3  }
0x128: {  	p1 =	seq.s32 @!p0 s1, $0x0  }
0x129: {  	p0 =	por p0, p1  }
.Ltmp21:
0x12a: {  	s9 =	sadd.s32 $0x3F, s3;
	(pc) =	sbr.rel @p0 .LBB2_20-.Ltmp21, $4  }
0x12b: {  	s0 =	sshra.s32 s9, $0x1F  }
0x12c: {  	s0 =	sshrl.u32 s0, $0x1A  }
0x12d: {  	s0 =	sadd.s32 s0, s9  }
0x12e: {  	s30 =	sshra.s32 s0, $0x6  }
0x12f: {  	(v2sf) =	vpush v3, $0x0  }
0x130: {  	(v2sf) =	vpush v8, $0x0  }
0x131: {  	(v2sf) =	vpush v3, $0xF  }
0x132: {  	(v2sf) =	vpush v8, $0xF  }
0x133: {  	(v2sf) =	vpush v3, $0x1  }
0x134: {  	(v2sf) =	vpush v8, $0x1  }
0x135: {  	(v2sf) =	vpush v3, $0x2  }
0x136: {  	(v2sf) =	vpush v8, $0x2  }
0x137: {  	(v2sf) =	vpush v3, $0x3  }
0x138: {  	(v2sf) =	vpush v8, $0x3  }
0x139: {  	(v2sf) =	vpush v3, $0x4  }
0x13a: {  	(v2sf) =	vpush v8, $0x4  }
0x13b: {  	(v2sf) =	vpush v3, $0x5  }
0x13c: {  	(v2sf) =	vpush v8, $0x5  }
0x13d: {  	(v2sf) =	vpush v3, $0x6  }
0x13e: {  	s31 =	spop (v2sf)  }
0x13f: {  	(v2sf) =	vpush v8, $0x6  }
0x140: {  	s8 =	spop (v2sf);
	(v2sf) =	vpush v3, $0x7  }
0x141: {  	s0 =	spop (v2sf);
	(v2sf) =	vpush v8, $0x7  }
0x142: {  	s4 =	spop (v2sf);
	(v2sf) =	vpush v3, $0x8  }
0x143: {  	s13 =	spop (v2sf);
	(v2sf) =	vpush v8, $0x8  }
0x144: {  	s26 =	spop (v2sf);
	(v2sf) =	vpush v3, $0x9  }
0x145: {  	s14 =	spop (v2sf);
	(v2sf) =	vpush v8, $0x9  }
0x146: {  	[dreg:$0x1b] =	wrdreg s0;
	s0 =	spop (v2sf);
	(v2sf) =	vpush v3, $0xA  }
0x147: {  	s1 =	spop (v2sf);
	(v2sf) =	vpush v8, $0xA  }
0x148: {  	[dreg:$0x1f] =	wrdreg s1;
	s1 =	spop (v2sf);
	(v2sf) =	vpush v3, $0xB  }
0x149: {  	s7 =	spop (v2sf);
	(v2sf) =	vpush v8, $0xB  }
0x14a: {  	s24 =	spop (v2sf);
	(v2sf) =	vpush v3, $0xC  }
0x14b: {  	s15 =	spop (v2sf);
	(v2sf) =	vpush v8, $0xC  }
0x14c: {  	s22 =	spop (v2sf);
	(v2sf) =	vpush v3, $0xD  }
0x14d: {  	s16 =	spop (v2sf);
	(v2sf) =	vpush v8, $0xD  }
0x14e: {  	s21 =	spop (v2sf);
	(v2sf) =	vpush v3, $0xE  }
0x14f: {  	s17 =	spop (v2sf);
	(v2sf) =	vpush v8, $0xE  }
0x150: {  	[smem:$0x7AE] =	sst s17;
	s17 =	spop (v2sf);
	(v2sf) =	vpush v5, $0x0  }
0x151: {  	s23 =	spop (v2sf);
	(v2sf) =	vpush v5, $0xF  }
0x152: {  	s12 =	spop (v2sf);
	(v2sf) =	vpush v5, $0x1  }
0x153: {  	s29 =	spop (v2sf);
	(v2sf) =	vpush v5, $0x2  }
0x154: {  	[smem:$0x7AD] =	sst s16;
	s16 =	spop (v2sf);
	(v2sf) =	vpush v5, $0x3  }
0x155: {  	s11 =	spop (v2sf);
	(v2sf) =	vpush v5, $0x4  }
0x156: {  	[smem:$0x7AC] =	sst s15;
	s15 =	spop (v2sf);
	(v2sf) =	vpush v5, $0x5  }
0x157: {  	[dreg:$0x1c] =	wrdreg s13;
	s13 =	spop (v2sf);
	(v2sf) =	vpush v5, $0x6  }
0x158: {  	[smem:$0x7B0] =	sst s29;
	s29 =	spop (v2sf);
	(v2sf) =	vpush v5, $0x7  }
0x159: {  	[dreg:$0x1e] =	wrdreg s14;
	(v2sf) =	vpush v5, $0x8;
	s14 =	spop (v2sf)  }
0x15a: {  	[smem:$0x7B3] =	sst s14;
	(v2sf) =	vpush v5, $0x9;
	s14 =	spop (v2sf)  }
0x15b: {  	[smem:$0x7AF] =	sst s23;
	(v2sf) =	vpush v5, $0xA;
	s23 =	spop (v2sf)  }
0x15c: {  	[smem:$0x7B1] =	sst s11;
	(v2sf) =	vpush v5, $0xB;
	s11 =	spop (v2sf)  }
0x15d: {  	[smem:$0x7B2] =	sst s13;
	(v2sf) =	vpush v5, $0xC;
	s13 =	spop (v2sf)  }
0x15e: {  	[smem:$0x7B4] =	sst s23;
	(v2sf) =	vpush v5, $0xD;
	s23 =	spop (v2sf)  }
0x15f: {  	[smem:$0x7AB] =	sst s7;
	(v2sf) =	vpush v5, $0xE;
	s7 =	spop (v2sf)  }
0x160: {  	[smem:$0x7B5] =	sst s7;
	(v2sf) =	vpush v6, $0x0;
	s7 =	spop (v2sf)  }
0x161: {  	[smem:$0x7B6] =	sst s7;
	(v2sf) =	vpush v6, $0xF;
	s7 =	spop (v2sf)  }
0x162: {  	[smem:$0x7B7] =	sst s7;
	(v2sf) =	vpush v6, $0x1;
	s7 =	spop (v2sf)  }
0x163: {  	[smem:$0x7B8] =	sst s7;
	(v2sf) =	vpush v6, $0x2;
	s7 =	spop (v2sf)  }
0x164: {  	[smem:$0x7B9] =	sst s7;
	(v2sf) =	vpush v6, $0x3;
	s7 =	spop (v2sf)  }
0x165: {  	[smem:$0x7BA] =	sst s7;
	(v2sf) =	vpush v6, $0x4;
	s7 =	spop (v2sf)  }
0x166: {  	[smem:$0x7BB] =	sst s7;
	(v2sf) =	vpush v6, $0x5;
	s7 =	spop (v2sf)  }
0x167: {  	[smem:$0x7BC] =	sst s7;
	(v2sf) =	vpush v6, $0x6;
	s7 =	spop (v2sf)  }
0x168: {  	[smem:$0x7BD] =	sst s7;
	(v2sf) =	vpush v6, $0x7;
	s7 =	spop (v2sf)  }
0x169: {  	[smem:$0x7BE] =	sst s7;
	(v2sf) =	vpush v6, $0x8;
	s7 =	spop (v2sf)  }
0x16a: {  	[smem:$0x7BF] =	sst s7;
	(v2sf) =	vpush v6, $0x9;
	s7 =	spop (v2sf)  }
0x16b: {  	[smem:$0x7C0] =	sst s7;
	(v2sf) =	vpush v6, $0xA;
	s7 =	spop (v2sf)  }
0x16c: {  	[smem:$0x7C1] =	sst s7;
	(v2sf) =	vpush v6, $0xB;
	s7 =	spop (v2sf)  }
0x16d: {  	[smem:$0x7C2] =	sst s7;
	(v2sf) =	vpush v6, $0xC;
	s7 =	spop (v2sf)  }
0x16e: {  	[smem:$0x7C3] =	sst s7;
	(v2sf) =	vpush v6, $0xD;
	s7 =	spop (v2sf)  }
0x16f: {  	[smem:$0x7C4] =	sst s7;
	(v2sf) =	vpush v6, $0xE;
	s7 =	spop (v2sf)  }
0x170: {  	[smem:$0x7C5] =	sst s7;
	s7 =	spop (v2sf)  }
0x171: {  	[smem:$0x7C6] =	sst s7;
	s7 =	spop (v2sf)  }
0x172: {  	(v2sf) =	vpush v7, $0x0;
	[smem:$0x7C7] =	sst s7;
	s7 =	spop (v2sf)  }
0x173: {  	[smem:$0x7C8] =	sst s7;
	s7 =	spop (v2sf)  }
0x174: {  	[smem:$0x7C9] =	sst s7;
	s7 =	spop (v2sf)  }
0x175: {  	(v2sf) =	vpush v7, $0xF;
	[smem:$0x7CA] =	sst s7;
	s7 =	spop (v2sf)  }
0x176: {  	(v2sf) =	vpush v7, $0x1;
	[smem:$0x7CC] =	sst s7;
	s7 =	spop (v2sf)  }
0x177: {  	[smem:$0x7CE] =	sst s7;
	s7 =	spop (v2sf)  }
0x178: {  	[smem:$0x7D1] =	sst s7;
	s7 =	spop (v2sf)  }
0x179: {  	(v2sf) =	vpush v7, $0x2;
	[smem:$0x7D3] =	sst s7;
	s7 =	spop (v2sf)  }
0x17a: {  	[smem:$0x7D5] =	sst s7;
	s7 =	spop (v2sf)  }
0x17b: {  	[smem:$0x7D7] =	sst s7;
	s7 =	spop (v2sf)  }
0x17c: {  	(v2sf) =	vpush v7, $0x3;
	[smem:$0x7DA] =	sst s7;
	s7 =	spop (v2sf)  }
0x17d: {  	[dreg:$0x1a] =	wrdreg s7;
	s7 =	spop (v2sf)  }
0x17e: {  	[dreg:$0x19] =	wrdreg s7;
	s7 =	spop (v2sf)  }
0x17f: {  	[dreg:$0x17] =	wrdreg s7  }
0x180: {  	(drf) =	srem.u32 s31, s8;
	s7 =	smov.u32 s4;
	s4 =	rddreg [dreg:$0x1b]  }
0x181: {  	(v2sf) =	vpush v7, $0x4;
	(drf) =	srem.u32 s4, s7;
	s4 =	spop (v2sf)  }
0x182: {  	[dreg:$0x18] =	wrdreg s4  }
0x183: {  	s4 =	rddreg [dreg:$0x1c]  }
0x184: {  	(drf) =	srem.u32 s4, s26;
	s4 =	spop (v2sf)  }
0x185: {  	[dreg:$0x15] =	wrdreg s4;
	s4 =	spop (v2sf)  }
0x186: {  	(v2sf) =	vpush v7, $0x5;
	[dreg:$0x14] =	wrdreg s4  }
0x187: {  	s4 =	rddreg [dreg:$0x1e]  }
0x188: {  	(drf) =	srem.u32 s4, s0;
	s4 =	spop (v2sf)  }
0x189: {  	[dreg:$0x12] =	wrdreg s4  }
0x18a: {  	s4 =	rddreg [dreg:$0x1f]  }
0x18b: {  	(v2sf) =	vpush v7, $0x6;
	(drf) =	srem.u32 s4, s1;
	s4 =	spop (v2sf)  }
0x18c: {  	[dreg:$0x11] =	wrdreg s4  }
0x18d: {  	s4 =	smov.u32 s24;
	s24 =	sld [smem:$0x7AB];
	_ =	sdelay $0x2  }
0x18e: {  	(drf) =	srem.u32 s24, s4;
	s24 =	spop (v2sf)  }
0x18f: {  	[dreg:$0x10] =	wrdreg s24  }
0x190: {  	s24 =	sld [smem:$0x7AC];
	_ =	sdelay $0x2  }
0x191: {  	(drf) =	srem.u32 s24, s22;
	s24 =	spop (v2sf)  }
0x192: {  	[dreg:$0xf] =	wrdreg s24  }
0x193: {  	s24 =	sld [smem:$0x7AD];
	_ =	sdelay $0x2  }
0x194: {  	(drf) =	srem.u32 s24, s21;
	s24 =	spop (v2sf)  }
0x195: {  	(v2sf) =	vpush v7, $0x7;
	[dreg:$0xd] =	wrdreg s24  }
0x196: {  	s24 =	sld [smem:$0x7AE];
	_ =	sdelay $0x2  }
0x197: {  	(drf) =	srem.u32 s24, s17;
	s24 =	spop (drf)  }
0x198: {  	[smem:$0x7CB] =	sst s24  }
0x199: {  	s24 =	sld [smem:$0x7AF]  }
0x19a: {  	s31 =	sld [smem:$0x7B0];
	_ =	sdelay $0x1  }
0x19b: {  	(drf) =	srem.u32 s24, s12;
	s24 =	spop (drf)  }
0x19c: {  	(drf) =	srem.u32 s31, s16;
	s31 =	spop (drf)  }
0x19d: {  	[smem:$0x7CD] =	sst s31  }
0x19e: {  	s31 =	sld [smem:$0x7B1];
	_ =	sdelay $0x2  }
0x19f: {  	(drf) =	srem.u32 s31, s15;
	s31 =	spop (v2sf)  }
0x1a0: {  	[dreg:$0xe] =	wrdreg s31;
	s31 =	spop (drf)  }
0x1a1: {  	[smem:$0x7CF] =	sst s31  }
0x1a2: {  	s31 =	sld [smem:$0x7B2];
	_ =	sdelay $0x2  }
0x1a3: {  	(drf) =	srem.u32 s31, s29;
	s31 =	spop (drf)  }
0x1a4: {  	[smem:$0x7D0] =	sst s31  }
0x1a5: {  	s31 =	sld [smem:$0x7B3];
	_ =	sdelay $0x2  }
0x1a6: {  	(drf) =	srem.u32 s31, s14;
	s31 =	spop (drf)  }
0x1a7: {  	[smem:$0x7D2] =	sst s31  }
0x1a8: {  	s31 =	sld [smem:$0x7B4];
	_ =	sdelay $0x2  }
0x1a9: {  	(drf) =	srem.u32 s31, s11;
	s31 =	spop (drf)  }
0x1aa: {  	(drf) =	srem.u32 s13, s23;
	s13 =	spop (drf)  }
0x1ab: {  	[smem:$0x7D6] =	sst s13  }
0x1ac: {  	s13 =	sld [smem:$0x7B5];
	_ =	sdelay $0x2  }
0x1ad: {  	(drf) =	srem.u32 s13, s8;
	s13 =	smov.u32 s8;
	s8 =	spop (drf)  }
0x1ae: {  	(v2sf) =	vpush v7, $0x8;
	[smem:$0x7D8] =	sst s8;
	s8 =	spop (drf)  }
0x1af: {  	[smem:$0x7DB] =	sst s8  }
0x1b0: {  	s8 =	sld [smem:$0x7B6];
	_ =	sdelay $0x2  }
0x1b1: {  	(drf) =	srem.u32 s8, s7;
	s8 =	spop (drf)  }
0x1b2: {  	[smem:$0x7DC] =	sst s8  }
0x1b3: {  	s8 =	sld [smem:$0x7B7];
	_ =	sdelay $0x2  }
0x1b4: {  	(drf) =	srem.u32 s8, s26;
	s8 =	spop (drf)  }
0x1b5: {  	[smem:$0x7DD] =	sst s8  }
0x1b6: {  	s8 =	sld [smem:$0x7B8];
	_ =	sdelay $0x1  }
0x1b7: {  	[smem:$0x7E9] =	sst s0  }
0x1b8: {  	(drf) =	srem.u32 s8, s0;
	s8 =	smov.u32 s0;
	s0 =	spop (v2sf)  }
0x1b9: {  	[dreg:$0x13] =	wrdreg s0  }
0x1ba: {  	s0 =	sld [smem:$0x7B9]  }
0x1bb: {  	[smem:$0x7EB] =	sst s1  }
0x1bc: {  	[smem:$0x7D4] =	sst s31  }
0x1bd: {  	s31 =	smov.u32 s1;
	(drf) =	srem.u32 s0, s1;
	s1 =	spop (drf)  }
0x1be: {  	[smem:$0x7DF] =	sst s1  }
0x1bf: {  	s1 =	sld [smem:$0x7BA];
	_ =	sdelay $0x2  }
0x1c0: {  	(drf) =	srem.u32 s1, s4;
	s1 =	spop (drf)  }
0x1c1: {  	[smem:$0x7E1] =	sst s1  }
0x1c2: {  	s1 =	sld [smem:$0x7BB]  }
0x1c3: {  	(v2sf) =	vpush v7, $0x9;
	_ =	sdelay $0x1  }
0x1c4: {  	(drf) =	srem.u32 s1, s22;
	s1 =	spop (drf)  }
0x1c5: {  	[smem:$0x7E4] =	sst s1  }
0x1c6: {  	s1 =	sld [smem:$0x7BC];
	_ =	sdelay $0x1  }
0x1c7: {  	[dreg:$0xc] =	wrdreg s9  }
0x1c8: {  	(drf) =	srem.u32 s1, s21;
	s1 =	spop (drf)  }
0x1c9: {  	[smem:$0x7E7] =	sst s1  }
0x1ca: {  	s1 =	sld [smem:$0x7BD]  }
0x1cb: {  	[smem:$0x7F4] =	sst s12  }
0x1cc: {  	s9 =	sld [smem:$0x7BE]  }
0x1cd: {  	(drf) =	srem.u32 s1, s17;
	s1 =	spop (drf)  }
0x1ce: {  	[smem:$0x7D9] =	sst s1  }
0x1cf: {  	(drf) =	srem.u32 s9, s12;
	s9 =	sld [smem:$0x7BF]  }
0x1d0: {  	s1 =	spop (v2sf);
	s12 =	sld [smem:$0x7C0]  }
0x1d1: {  	s0 =	spop (drf);
	[dreg:$0x16] =	wrdreg s1  }
0x1d2: {  	s1 =	spop (drf);
	(drf) =	srem.u32 s9, s16  }
0x1d3: {  	(drf) =	srem.u32 s12, s15;
	s12 =	sld [smem:$0x7C1]  }
0x1d4: {  	_ = 	snop  }
0x1d5: {  	s9 =	spop (drf)  }
0x1d6: {  	(drf) =	srem.u32 s12, s29;
	s12 =	spop (drf)  }
0x1d7: {  	[smem:$0x7DE] =	sst s12  }
0x1d8: {  	s12 =	sld [smem:$0x7C2];
	_ =	sdelay $0x2  }
0x1d9: {  	(drf) =	srem.u32 s12, s14;
	s12 =	spop (drf)  }
0x1da: {  	[smem:$0x7E0] =	sst s12  }
0x1db: {  	s12 =	sld [smem:$0x7C3];
	_ =	sdelay $0x1  }
0x1dc: {  	[smem:$0x7E6] =	sst s26  }
0x1dd: {  	(drf) =	srem.u32 s12, s11;
	s12 =	spop (drf)  }
0x1de: {  	(v2sf) =	vpush v7, $0xA;
	[smem:$0x7E2] =	sst s12;
	s12 =	spop (drf)  }
0x1df: {  	[smem:$0x7E5] =	sst s12  }
0x1e0: {  	s12 =	sld [smem:$0x7C4]  }
0x1e1: {  	[smem:$0x7EE] =	sst s22  }
0x1e2: {  	[smem:$0x7F0] =	sst s21  }
0x1e3: {  	(drf) =	srem.u32 s12, s23;
	s12 =	spop (drf)  }
0x1e4: {  	[smem:$0x7E8] =	sst s12  }
0x1e5: {  	s12 =	sld [smem:$0x7C5]  }
0x1e6: {  	[smem:$0x7F2] =	sst s17  }
0x1e7: {  	[smem:$0x7F6] =	sst s16  }
0x1e8: {  	(drf) =	srem.u32 s12, s13;
	s12 =	spop (drf)  }
0x1e9: {  	[smem:$0x7EA] =	sst s12  }
0x1ea: {  	s12 =	sld [smem:$0x7C6]  }
0x1eb: {  	[smem:$0x7F7] =	sst s15  }
0x1ec: {  	[smem:$0x7E3] =	sst s7;
	(v2sf) =	vpush v7, $0xB  }
0x1ed: {  	(drf) =	srem.u32 s12, s7;
	s7 =	spop (v2sf)  }
0x1ee: {  	[dreg:$0x1d] =	wrdreg s7  }
0x1ef: {  	s7 =	sld [smem:$0x7C7]  }
0x1f0: {  	[smem:$0x7F9] =	sst s29  }
0x1f1: {  	[smem:$0x7FA] =	sst s14  }
0x1f2: {  	(drf) =	srem.u32 s7, s26;
	s7 =	sld [smem:$0x7C8]  }
0x1f3: {  	[smem:$0x7ED] =	sst s4  }
0x1f4: {  	s12 =	sld [smem:$0x7C9];
	s26 =	spop (drf)  }
0x1f5: {  	[smem:$0x7EC] =	sst s26;
	(drf) =	srem.u32 s7, s8  }
0x1f6: {  	s8 =	spop (drf);
	s7 =	sld [smem:$0x7CA]  }
0x1f7: {  	(drf) =	srem.u32 s12, s31;
	s26 =	spop (drf)  }
0x1f8: {  	v8 =	vmov s24;
	[smem:$0x7EF] =	sst s26;
	s24 =	spop (drf)  }
0x1f9: {  	s26 =	sld [smem:$0x7CB];
	(drf) =	srem.u32 s7, s4  }
0x1fa: {  	s7 =	sld [smem:$0x7CC];
	s12 =	spop (drf)  }
0x1fb: {  	s4 =	spop (v2sf);
	[smem:$0x7F3] =	sst s12  }
0x1fc: {  	[smem:$0x7F8] =	sst s4  }
0x1fd: {  	vm2 =	vcmask $0x300;
	s4 =	sld [smem:$0x7D3]  }
0x1fe: {  	s12 =	spop (drf);
	v8 =	vsel vm2, s26, v8;
	s26 =	sld [smem:$0x7CE]  }
0x1ff: {  	[smem:$0x7F5] =	sst s12  }
0x200: {  	(drf) =	srem.u32 s7, s22;
	s22 =	sld [smem:$0x7CD]  }
0x201: {  	s7 =	sld [smem:$0x7CF]  }
0x202: {  	(drf) =	srem.u32 s26, s21;
	s21 =	sld [smem:$0x7D0]  }
0x203: {  	vm3 =	vcmask $0x704;
	s26 =	sld [smem:$0x7D2]  }
0x204: {  	vm4 =	vcmask $0xB08;
	v8 =	vsel vm3, s22, v8;
	s22 =	sld [smem:$0x7D1]  }
0x205: {  	vm5 =	vcmask $0xF0C;
	v8 =	vsel vm4, s7, v8;
	s7 =	sld [smem:$0x7F4]  }
0x206: {  	v8 =	vsel vm5, s21, v8;
	s21 =	sld [smem:$0x7D4]  }
0x207: {  	vm0 =	vcmask $0x1310;
	(v2sf) =	vpush v7, $0xC;
	(drf) =	srem.u32 s22, s17;
	s22 =	sld [smem:$0x7D5]  }
0x208: {  	s12 =	spop (drf);
	v8 =	vsel vm0, s26, v8;
	s26 =	sld [smem:$0x7D6]  }
0x209: {  	(drf) =	srem.u32 s4, s7;
	s4 =	sld [smem:$0x7D7]  }
0x20a: {  	s17 =	spop (drf);
	s7 =	sld [smem:$0x7D8]  }
0x20b: {  	v10 =	vmov s17;
	s17 =	sld [smem:$0x7E9];
	(drf) =	srem.u32 s22, s16  }
0x20c: {  	s16 =	spop (drf);
	s22 =	sld [smem:$0x7DA]  }
0x20d: {  	vm7 =	vcmask $0x1714;
	(drf) =	srem.u32 s4, s15;
	s15 =	sld [smem:$0x7D9]  }
0x20e: {  	v8 =	vsel vm7, s21, v8;
	s21 =	spop (drf);
	s4 =	sld [smem:$0x7DC]  }
0x20f: {  	vm8 =	vcmask $0x1B18;
	v9 =	vmov s0;
	(drf) =	srem.u32 s22, s29;
	s29 =	sld [smem:$0x7DB]  }
0x210: {  	vm9 =	vcmask $0x1F1C;
	v8 =	vsel vm8, s26, v8;
	v9 =	vsel vm2, s15, v9;
	s15 =	sld [smem:$0x7DD]  }
0x211: {  	v8 =	vsel vm9, s7, v8;
	s7 =	spop (drf);
	v9 =	vsel vm3, s1, v9;
	s1 =	rddreg [dreg:$0x19]  }
0x212: {  	vm10 =	vcmask $0x2320;
	s22 =	spop (drf);
	v9 =	vsel vm4, s9, v9;
	s9 =	rddreg [dreg:$0x1a]  }
0x213: {  	vm11 =	vcmask $0x2724;
	v8 =	vsel vm10, s29, v8;
	s29 =	sld [smem:$0x7DE];
	(drf) =	srem.u32 s9, s14  }
0x214: {  	v8 =	vsel vm11, s4, v8;
	s4 =	spop (drf);
	s9 =	sld [smem:$0x7DF]  }
0x215: {  	vm12 =	vcmask $0x2B28;
	s14 =	rddreg [dreg:$0x17];
	(drf) =	srem.u32 s1, s11  }
0x216: {  	v8 =	vsel vm12, s15, v8;
	s15 =	spop (v2sf);
	v9 =	vsel vm5, s29, v9;
	s29 =	smov.u32 s11;
	s11 =	sld [smem:$0x7E0]  }
0x217: {  	s0 =	spop (drf);
	[smem:$0x7FB] =	sst s15  }
0x218: {  	(drf) =	srem.u32 s14, s23;
	s14 =	rddreg [dreg:$0x15]  }
0x219: {  	s15 =	sld [smem:$0x7E3]  }
0x21a: {  	vm13 =	vcmask $0x2F2C;
	v9 =	vsel vm0, s11, v9;
	s11 =	sld [smem:$0x7E1]  }
0x21b: {  	v8 =	vsel vm13, s9, v8;
	s9 =	rddreg [dreg:$0x18]  }
0x21c: {  	vm14 =	vcmask $0x3330;
	(drf) =	srem.u32 s9, s13;
	s13 =	sld [smem:$0x7E2]  }
0x21d: {  	s9 =	spop (drf);
	v8 =	vsel vm14, s11, v8;
	s11 =	sld [smem:$0x7E4]  }
0x21e: {  	(drf) =	srem.u32 s14, s15;
	s15 =	sld [smem:$0x7E6]  }
0x21f: {  	vm15 =	vcmask $0x3734;
	s14 =	rddreg [dreg:$0x14]  }
0x220: {  	v9 =	vsel vm7, s13, v9;
	s13 =	sld [smem:$0x7E5];
	v8 =	vsel vm15, s11, v8;
	s11 =	spop (drf)  }
0x221: {  	v10 =	vsel vm2, s12, v10;
	(drf) =	srem.u32 s14, s15;
	s14 =	sld [smem:$0x7E8]  }
0x222: {  	v10 =	vsel vm3, s16, v10;
	s16 =	rddreg [dreg:$0x10]  }
0x223: {  	v9 =	vsel vm8, s13, v9;
	s13 =	sld [smem:$0x7E7]  }
0x224: {  	s15 =	rddreg [dreg:$0x12];
	v9 =	vsel vm9, s14, v9;
	s14 =	spop (drf)  }
0x225: {  	vm6 =	vcmask $0x3B38;
	(drf) =	srem.u32 s15, s17;
	s17 =	sld [smem:$0x7EB]  }
0x226: {  	v8 =	vsel vm6, s13, v8;
	s13 =	sld [smem:$0x7EA]  }
0x227: {  	s15 =	rddreg [dreg:$0x11];
	s12 =	spop (drf)  }
0x228: {  	(drf) =	srem.u32 s15, s17;
	s15 =	sld [smem:$0x7EC]  }
0x229: {  	s17 =	sld [smem:$0x7ED]  }
0x22a: {  	v10 =	vsel vm4, s21, v10;
	s21 =	sld [smem:$0x7EE];
	v9 =	vsel vm10, s13, v9  }
0x22b: {  	s13 =	rddreg [dreg:$0xf];
	v9 =	vsel vm11, s15, v9;
	s15 =	spop (drf)  }
0x22c: {  	(drf) =	srem.u32 s16, s17;
	s17 =	spop (drf)  }
0x22d: {  	(drf) =	srem.u32 s13, s21;
	s21 =	sld [smem:$0x7EF]  }
0x22e: {  	_ = 	snop  }
0x22f: {  	v9 =	vsel vm12, s8, v9  }
0x230: {  	v9 =	vsel vm13, s21, v9;
	s21 =	sld [smem:$0x7F0]  }
0x231: {  	[smem:$0x7F1] =	sst s24;
	(v2sf) =	vpush v7, $0xD;
	v10 =	vsel vm5, s7, v10  }
0x232: {  	v10 =	vsel vm0, s22, v10;
	s13 =	rddreg [dreg:$0xd];
	s7 =	spop (drf)  }
0x233: {  	v10 =	vsel vm7, s4, v10;
	(drf) =	srem.u32 s13, s21;
	s21 =	sld [smem:$0x7F1]  }
0x234: {  	s22 =	sld [smem:$0x7F2];
	v10 =	vsel vm8, s0, v10  }
0x235: {  	v10 =	vsel vm9, s9, v10;
	s9 =	sld [smem:$0x7F8]  }
0x236: {  	s13 =	rddreg [dreg:$0xe];
	v9 =	vsel vm14, s21, v9;
	s21 =	spop (drf)  }
0x237: {  	(v2sf) =	vpush v7, $0xE;
	(drf) =	srem.u32 s13, s22;
	s13 =	sld [smem:$0x7F3]  }
0x238: {  	v10 =	vsel vm10, s11, v10;
	s11 =	sld [smem:$0x7F9];
	s22 =	sadd.s32 $0x10, s3  }
0x239: {  	v15 =	vadd.s32 s22, v3;
	s22 =	sld [smem:$0x7F5]  }
0x23a: {  	v9 =	vsel vm15, s13, v9;
	s13 =	sld [smem:$0x7F4]  }
0x23b: {  	v11 =	vadd.s32 s3, v3;
	s8 =	rddreg [dreg:$0x13]  }
0x23c: {  	v12 =	vshll.u32 v11, $0x1;
	s1 =	sshll.u32 s30, $0x6;
	v9 =	vsel vm6, s22, v9;
	s22 =	sld [smem:$0x7F6]  }
0x23d: {  	v13 =	vand.u32 $0x3F, v11;
	v12 =	vand.u32 $0xFFFFFF80, v12;
	s31 =	simm.s32 $0x6D80;
	vm1 =	vlt.s32 v11, s1;
	s4 =	spop (drf);
	(drf) =	srem.u32 s8, s13  }
0x23e: {  	v12 =	vor.u32 v13, v12;
	s26 =	simm.s32 $0x8D80;
	v14 =	vld.idx.msk [tilespmem:v8+s31+$0x0], $0xffff;
	s8 =	spop (drf);
	s13 =	rddreg [dreg:$0x16]  }
0x23f: {  	s24 =	simm.s32 $0x0;
	v50 =	vld.idx.msk [tilespmem:v8+s26+$0x0], $0xffff;
	(drf) =	srem.u32 s13, s22;
	s22 =	sld [smem:$0x7F7]  }
0x240: {  	v10 =	vsel vm11, s14, v10;
	s14 =	sld [smem:$0x7FA];
	v8 =	vld.idx.msk [tilespmem:v8+s24+$0x0], $0xffff;
	s16 =	spop (v2sf)  }
0x241: {  	v16 =	vmov s8;
	s8 =	spop (drf);
	s13 =	rddreg [dreg:$0x1d]  }
0x242: {  	v10 =	vsel vm12, s12, v10;
	(drf) =	srem.u32 s13, s22;
	s22 =	sld [smem:$0x7FB]  }
0x243: {  	v10 =	vsel vm13, s15, v10;
	[tilespmem:v12+s31+$0x0] =	vst.idx.msk vm1, v14;
	v16 =	vsel vm2, s4, v16;
	s4 =	spop (drf)  }
0x244: {  	[tilespmem:v12+s26+$0x0] =	vst.idx.msk vm1, v50;
	vm0 =	vlt.s32 v15, s1;
	v52 =	vshll.u32 v15, $0x1;
	v53 =	vsel vm3, s8, v16;
	s8 =	spop (drf);
	(drf) =	srem.u32 s9, s11  }
0x245: {  	[tilespmem:v11+s24+$0x0] =	vst.idx.msk vm1, v8;
	v51 =	vand.u32 $0x3F, v15;
	v8 =	vand.u32 $0xFFFFFF80, v52;
	v54 =	vsel vm4, s4, v53;
	s13 =	spop (drf);
	(drf) =	srem.u32 s22, s14  }
0x246: {  	v8 =	vor.u32 v51, v8;
	v55 =	vld.idx.msk [tilespmem:v9+s31+$0x0], $0xffff;
	v11 =	vsel vm5, s8, v54;
	s8 =	spop (v2sf);
	vm5 =	vcmask $0x1310;
	(drf) =	srem.u32 s16, s29  }
0x247: {  	v10 =	vsel vm14, s17, v10;
	v56 =	vld.idx.msk [tilespmem:v9+s26+$0x0], $0xffff;
	s9 =	spop (drf);
	v11 =	vsel vm5, s13, v11;
	(drf) =	srem.u32 s8, s23  }
0x248: {  	v10 =	vsel vm15, s7, v10;
	v9 =	vld.idx.msk [tilespmem:v9+s24+$0x0], $0xffff;
	s11 =	spop (drf);
	v11 =	vsel vm7, s9, v11  }
0x249: {  	v10 =	vsel vm6, s21, v10;
	s12 =	spop (drf);
	v11 =	vsel vm8, s11, v11  }
0x24a: {  	s14 =	sadd.s32 $0x20, s3;
	s13 =	spop (drf);
	v11 =	vsel vm9, s12, v11  }
0x24b: {  	[tilespmem:v8+s31+$0x0] =	vst.idx.msk vm0, v55;
	v57 =	vadd.s32 s14, v3;
	s15 =	spop (drf);
	v11 =	vsel vm10, s13, v11  }
0x24c: {  	[tilespmem:v8+s26+$0x0] =	vst.idx.msk vm0, v56;
	v8 =	vshll.u32 v57, $0x1;
	v58 =	vand.u32 $0x3F, v57;
	v11 =	vsel vm11, s15, v11;
	s16 =	spop (drf)  }
0x24d: {  	vm10 =	vlt.s32 v57, s1;
	[tilespmem:v15+s24+$0x0] =	vst.idx.msk vm0, v9;
	v8 =	vand.u32 $0xFFFFFF80, v8;
	s17 =	spop (drf);
	v11 =	vsel vm12, s16, v11  }
0x24e: {  	v13 =	vld.idx.msk [tilespmem:v10+s31+$0x0], $0xffff;
	v8 =	vor.u32 v58, v8;
	v59 =	vsel vm13, s17, v11;
	s21 =	spop (drf)  }
0x24f: {  	v60 =	vld.idx.msk [tilespmem:v10+s26+$0x0], $0xffff;
	s22 =	spop (drf);
	v9 =	vsel vm14, s21, v59  }
0x250: {  	v10 =	vld.idx.msk [tilespmem:v10+s24+$0x0], $0xffff;
	v9 =	vsel vm15, s22, v9;
	s23 =	spop (drf)  }
0x251: {  	v9 =	vsel vm6, s23, v9  }
0x252: {  	s29 =	sadd.s32 $0x30, s3  }
0x253: {  	v61 =	vadd.s32 s29, v3;
	[tilespmem:v8+s31+$0x0] =	vst.idx.msk vm10, v13  }
0x254: {  	[tilespmem:v8+s26+$0x0] =	vst.idx.msk vm10, v60;
	v8 =	vshll.u32 v61, $0x1  }
0x255: {  	v62 =	vand.u32 $0x3F, v61;
	[tilespmem:v57+s24+$0x0] =	vst.idx.msk vm10, v10;
	vm15 =	vlt.s32 v61, s1;
	v8 =	vand.u32 $0xFFFFFF80, v8  }
0x256: {  	v8 =	vor.u32 v62, v8;
	v11 =	vld.idx.msk [tilespmem:v9+s31+$0x0], $0xffff  }
0x257: {  	v63 =	vld.idx.msk [tilespmem:v9+s26+$0x0], $0xffff  }
0x258: {  	v9 =	vld.idx.msk [tilespmem:v9+s24+$0x0], $0xffff;
	_ =	sdelay $0x2  }
0x259: {  	[tilespmem:v8+s31+$0x0] =	vst.idx.msk vm15, v11  }
0x25a: {  	[tilespmem:v8+s26+$0x0] =	vst.idx.msk vm15, v63  }
0x25b: {  	s9 =	rddreg [dreg:$0xc];
	[tilespmem:v61+s24+$0x0] =	vst.idx.msk vm15, v9  }
.LBB2_20:
0x25c: {  	s0 =	simm.s32 $0x2  }
0x25d: {  	_ =	swait.ge [sflag:s0], $0x2800  }
0x25e: {  	[sflag:s0] =	ssyncset.done $0x0  }
0x25f: {  	p0 =	slt.s32 s9, $0x40;
	[sflag:s0] =	ssyncadd.s32 $0xFFFFD800  }
.Ltmp22:
0x260: {  	_ =	swait.ge [sflag:s0], $0x2800;
	(pc) =	sbr.rel @p0 .LBB2_39-.Ltmp22, $4  }
0x261: {  	[sflag:s0] =	ssyncset.done $0x0  }
0x262: {  	[sflag:s0] =	ssyncadd.s32 $0xFFFFD800  }
0x263: {  	[bflag:$0x0] =	sbarrier.arrive $0xFFFF  }
0x264: {  	s1 =	rddreg [dreg:$0xb]  }
0x265: {  	s4 =	simm.s32 $0xAD80;
	p0 =	slt.u32 s9, $0x80;
	p1 =	slt.u32 s9, $0xC0  }
0x266: {  	[tilespmem:s4], [sflag:$0x3] =	stream.indirect.gather [hbm4b:s2+s25], $0x80, s24, s25, $0xb8;
	[tilespmem:$0x1F580] =	vst v63  }
.Ltmp23:
0x267: {  	s0 =	simm.s32 @!p0 $0x40;
	s1 =	simm.s32 @!p0 $0xCD80;
	(pc) =	sbr.rel @p1 .LBB2_28-.Ltmp23, $4  }
0x268: {  	[tilespmem:s1], [sflag:$0x3] =	stream.indirect.gather @!p0 [hbm4b:s2+s0], $0x80, s0, s0, $0xb8;
	[tilespmem:$0x1F580] =	vst v63  }
0x269: {  	_ =	swait.ge [sflag:s18], $0x2000  }
0x26a: {  	[sflag:s18] =	ssyncset.done $0x0  }
0x26b: {  	[sflag:s18] =	ssyncadd.s32 $0xFFFFE000  }
0x26c: {  	s0 =	simm.s32 $0x80;
	s1 =	simm.s32 $0xED80  }
0x26d: {  	[tilespmem:s1], [sflag:$0x3] =	stream.indirect.gather [hbm4b:s2+s25], $0x80, s0, s25, $0xb8;
	[tilespmem:$0x1F580] =	vst v63  }
.Ltmp24:
0x26e: {  	_ = 	snop;
	(pc) =	sbr.rel .LBB2_29-.Ltmp24, $4  }
0x26f: {  	_ = 	snop  }
0x270: {  	[hbm4b:s5+s25] =	stream.indirect.scatter [tilespmem:s4], [sflag:$0x4], $0x80, s26, s25, $0xb8;
	[tilespmem:$0x1F580] =	vst v63  }
0x271: {  	_ = 	snop  }
0x272: {  	[hbm4b:s6+s25] =	stream.indirect.scatter [tilespmem:s4], [sflag:$0x4], $0x80, s31, s25, $0xb8;
	[tilespmem:$0x1F580] =	vst v63  }
.LBB2_28:
.Ltmp25:
0x273: {  	(pc) =	sbr.rel @p0 .LBB2_35-.Ltmp25, $4  }
0x274: {  	_ = 	snop  }
0x275: {  	[hbm4b:s5+s25] =	stream.indirect.scatter [tilespmem:s4], [sflag:$0x4], $0x80, s26, s25, $0xb8;
	[tilespmem:$0x1F580] =	vst v63  }
0x276: {  	_ = 	snop  }
0x277: {  	[hbm4b:s6+s25] =	stream.indirect.scatter [tilespmem:s4], [sflag:$0x4], $0x80, s31, s25, $0xb8;
	[tilespmem:$0x1F580] =	vst v63  }
.LBB2_29:
0x278: {  	p0 =	slt.u32 s9, $0x100  }
.Ltmp26:
0x279: {  	_ = 	snop;
	(pc) =	sbr.rel @p0 .LBB2_31-.Ltmp26, $4  }
0x27a: {  	_ = 	snop  }
0x27b: {  	_ =	swait.ge [sflag:s18], $0x2000  }
0x27c: {  	[sflag:s18] =	ssyncset.done $0x0  }
0x27d: {  	[sflag:s18] =	ssyncadd.s32 $0xFFFFE000  }
0x27e: {  	s0 =	simm.s32 $0xC0;
	s1 =	simm.s32 $0x10D80  }
0x27f: {  	[tilespmem:s1], [sflag:$0x3] =	stream.indirect.gather [hbm4b:s2+s25], $0x80, s0, s25, $0xb8;
	[tilespmem:$0x1F580] =	vst v63  }
.Ltmp27:
0x280: {  	_ = 	snop;
	(pc) =	sbr.rel .LBB2_32-.Ltmp27, $4  }
0x281: {  	s26 =	simm.s32 $0x8E00;
	s29 =	simm.s32 $0xCD80  }
0x282: {  	[hbm4b:s5+s25] =	stream.indirect.scatter [tilespmem:s29], [sflag:$0x4], $0x80, s26, s25, $0xb8;
	[tilespmem:$0x1F580] =	vst v63  }
0x283: {  	s31 =	simm.s32 $0x6E00  }
0x284: {  	[hbm4b:s6+s25] =	stream.indirect.scatter [tilespmem:s29], [sflag:$0x4], $0x80, s31, s25, $0xb8;
	[tilespmem:$0x1F580] =	vst v63  }
.LBB2_31:
0x285: {  	p0 =	slt.s32 s3, $0x81  }
.Ltmp28:
0x286: {  	_ = 	snop;
	(pc) =	sbr.rel @p0 .LBB2_35-.Ltmp28, $4  }
0x287: {  	s0 =	simm.s32 $0x8E00;
	s1 =	simm.s32 $0xCD80  }
0x288: {  	[hbm4b:s5+s25] =	stream.indirect.scatter [tilespmem:s1], [sflag:$0x4], $0x80, s0, s25, $0xb8;
	[tilespmem:$0x1F580] =	vst v63  }
0x289: {  	s31 =	simm.s32 $0x6E00  }
0x28a: {  	[hbm4b:s6+s25] =	stream.indirect.scatter [tilespmem:s1], [sflag:$0x4], $0x80, s31, s25, $0xb8;
	[tilespmem:$0x1F580] =	vst v63  }
.LBB2_32:
0x28b: {  	_ =	swait.ge [sflag:s18], $0x2000  }
0x28c: {  	[sflag:s18] =	ssyncset.done $0x0  }
0x28d: {  	[sflag:s18] =	ssyncadd.s32 $0xFFFFE000  }
0x28e: {  	_ =	swait.ge [sflag:s28], $0x2000  }
0x28f: {  	s0 =	sadd.s32 $0xFFFFFFFE, s30;
	[sflag:s28] =	ssyncset.done $0x0  }
0x290: {  	s1 =	simm.s32 $0x20000;
	p0 =	sle.s32 s0, $0x2;
	[sflag:s28] =	ssyncadd.s32 $0xFFFFE000  }
0x291: {  	s4 =	sand.u32 @!p0 $0x18000, s1;
	_ =	swait.ge [sflag:s28], $0x2000  }
0x292: {  	s3 =	simm.s32 $0x100;
	s4 =	sshrl.u32 @!p0 s4, $0x2;
	[sflag:s28] =	ssyncset.done $0x0  }
0x293: {  	s7 =	simm.s32 @!p0 $0x40;
	s4 =	sadd.s32 @!p0 $0xAD80, s4;
	[sflag:s28] =	ssyncadd.s32 $0xFFFFE000  }
0x294: {  	[tilespmem:s4], [sflag:$0x3] =	stream.indirect.gather @!p0 [hbm4b:s2+s7], $0x80, s3, s7, $0xb8;
	[tilespmem:$0x1F580] =	vst v63  }
0x295: {  	p0 =	sne.s32 s30, $0x3  }
.Ltmp29:
0x296: {  	s8 =	simm.s32 $0x10000;
	(pc) =	sbr.rel @!p0 .LBB2_34-.Ltmp29, $4  }
0x297: {  	s31 =	simm.s32 $0x8E80;
	s8 =	sand.u32 $0x18000, s8  }
0x298: {  	s9 =	simm.s32 $0x6F00;
	s29 =	sshrl.u32 s8, $0x2;
	s8 =	simm.s32 $0x8F00  }
0x299: {  	s11 =	sadd.s32 $0xAD80, s29;
	s7 =	simm.s32 $0x6E80;
	s4 =	simm.s32 $0x3  }
0x29a: {  	[hbm4b:s5+s25] =	stream.indirect.scatter [tilespmem:s11], [sflag:$0x4], $0x80, s31, s25, $0xb8;
	[tilespmem:$0x1F580] =	vst v63  }
.LBB2_33:
0x29b: {  	s1 =	sadd.s32 $0x8000, s1;
	s3 =	sadd.s32 $0x40, s3  }
0x29c: {  	s12 =	smov.u32 s4;
	s4 =	sadd.s32 $0x1, s4;
	s14 =	smov.u32 s8  }
0x29d: {  	[hbm4b:s6+s25] =	stream.indirect.scatter [tilespmem:s11], [sflag:$0x4], $0x80, s7, s25, $0xb8;
	[tilespmem:$0x1F580] =	vst v63  }
0x29e: {  	p0 =	sne.s32 s30, s4;
	s7 =	smov.u32 s9;
	_ =	swait.ge [sflag:s18], $0x2000  }
0x29f: {  	[sflag:s18] =	ssyncset.done $0x0  }
0x2a0: {  	[sflag:s18] =	ssyncadd.s32 $0xFFFFE000  }
0x2a1: {  	_ =	swait.ge [sflag:s28], $0x2000  }
0x2a2: {  	[sflag:s28] =	ssyncset.done $0x0  }
0x2a3: {  	p1 =	sge.s32 s12, s0;
	s15 =	sadd.s32 $0xFFFF0000, s1;
	[sflag:s28] =	ssyncadd.s32 $0xFFFFE000  }
0x2a4: {  	s11 =	sand.u32 @!p1 $0x18000, s1;
	s12 =	simm.s32 @!p1 $0x40;
	_ =	swait.ge [sflag:s28], $0x2000  }
0x2a5: {  	s15 =	sand.u32 $0x18000, s15;
	s11 =	sshrl.u32 @!p1 s11, $0x2;
	[sflag:s28] =	ssyncset.done $0x0  }
.Ltmp30:
0x2a6: {  	s11 =	sadd.s32 @!p1 $0xAD80, s11;
	[sflag:s28] =	ssyncadd.s32 $0xFFFFE000;
	(pc) =	sbr.rel @p0 .LBB2_33-.Ltmp30, $4  }
0x2a7: {  	[tilespmem:s11], [sflag:$0x3] =	stream.indirect.gather @!p1 [hbm4b:s2+s12], $0x80, s3, s12, $0xb8;
	[tilespmem:$0x1F580] =	vst v63  }
0x2a8: {  	s11 =	sshrl.u32 s15, $0x2  }
0x2a9: {  	s8 =	sadd.s32 $0x80, s8;
	s9 =	sadd.s32 $0x80, s9;
	s11 =	sadd.s32 $0xAD80, s11  }
0x2aa: {  	[hbm4b:s5+s25] =	stream.indirect.scatter [tilespmem:s11], [sflag:$0x4], $0x80, s14, s25, $0xb8;
	[tilespmem:$0x1F580] =	vst v63  }
.LBB2_34:
0x2ab: {  	[hbm4b:s6+s25] =	stream.indirect.scatter [tilespmem:s11], [sflag:$0x4], $0x80, s7, s25, $0xb8;
	[tilespmem:$0x1F580] =	vst v63  }
.LBB2_35:
0x2ac: {  	p0 =	sgt.s32 s30, $0x2;
	s0 =	smov.u32 s30  }
0x2ad: {  	s0 =	simm.s32 @!p0 $0x2  }
0x2ae: {  	s1 =	sadd.s32 $0xFFFFFFFE, s0  }
0x2af: {  	p0 =	sge.s32 s1, s30  }
.Ltmp31:
0x2b0: {  	_ = 	snop;
	(pc) =	sbr.rel @p0 .LBB2_39-.Ltmp31, $2  }
0x2b1: {  	_ =	sdelay $0x2  }
0x2b2: {  	s1 =	rddreg [dreg:$0xb]  }
0x2b3: {  	s0 =	ssub.s32 s30, s0  }
0x2b4: {  	s0 =	sadd.s32 $0x2, s0  }
0x2b5: {  	p0 =	sne.s32 s0, $0x1  }
.Ltmp32:
0x2b6: {  	_ =	swait.ge [sflag:s28], $0x2000;
	(pc) =	sbr.rel @!p0 .LBB2_38-.Ltmp32, $4  }
0x2b7: {  	[sflag:s28] =	ssyncset.done $0x0  }
0x2b8: {  	[sflag:s28] =	ssyncadd.s32 $0xFFFFE000  }
0x2b9: {  	_ =	swait.ge [sflag:s28], $0x2000  }
0x2ba: {  	s0 =	sadd.s32 $0xFFFFFFFF, s0;
	[sflag:s28] =	ssyncset.done $0x0  }
.LBB2_37:
0x2bb: {  	p0 =	sne.s32 s0, $0x1;
	s0 =	sadd.s32 $0xFFFFFFFF, s0;
	[sflag:s28] =	ssyncadd.s32 $0xFFFFE000  }
.Ltmp33:
0x2bc: {  	_ =	swait.ge [sflag:s28], $0x2000;
	(pc) =	sbr.rel @p0 .LBB2_37-.Ltmp33, $4  }
0x2bd: {  	[sflag:s28] =	ssyncset.done $0x0  }
0x2be: {  	[sflag:s28] =	ssyncadd.s32 $0xFFFFE000  }
0x2bf: {  	_ =	swait.ge [sflag:s28], $0x2000  }
0x2c0: {  	[sflag:s28] =	ssyncset.done $0x0  }
.Ltmp34:
0x2c1: {  	_ = 	snop;
	(pc) =	sbr.rel .LBB2_38-.Ltmp34, $1  }
0x2c2: {  	_ =	sdelay $0x3  }
.LBB2_40:
0x2c3: {  	_ =	sfence.sel $0x180000  }
0x2c4: {  	[bflag:$0x0] =	sbarrier.arrive $0xFFFF  }
0x2c5: {  	_ =	strace $0x90000047  }
0x2c6: {  	s0 =	stileid.u32;
	[bflag:$0x2] =	sbarrier.arrive $0xFFFF  }
0x2c7: {  	p0 =	sne.s32 s0, $0x0;
	s0 =	rddreg [dreg:$0x5]  }
0x2c8: {  	s0 =	sadd.s32 @!p0 $0x100000, s0  }
0x2c9: {  	[sflag:s0] =	ssyncadd.tile.s32 @!p0 $0x1;
	_ =	shalt  }
.Lfunc_end2:
_tile_overlayer_lowered:
.L_overlay_start_2:
0x2ca: {  	(tag) =	ssettag $0x2  }
0x2cb: {  	s0 =	rddreg [dreg:$0x0];
	s2 =	stileid.u32  }
0x2cc: {  	s1 =	rddreg [dreg:$0x1];
	p0 =	sne.s32 s2, $0x0  }
0x2cd: {  	s3 =	rddreg [dreg:$0x2];
	[bflag:$0x3] =	sbarrier.arrive $0xFFFF;
	s2 =	simm.s32 @!p0 $0x1C05  }
0x2ce: {  	[timem:s3], [sflag:s2] =	dma.local @!p0 [hbm:s0], s1  }
0x2cf: {  	s0 =	simm.s32 @!p0 $0x5  }
0x2d0: {  	_ =	swait.ge @!p0 [sflag:s0], s1  }
0x2d1: {  	s1 =	ssub.s32 @!p0 $0x0, s1;
	[sflag:s0] =	ssyncset.done @!p0 $0x0  }
0x2d2: {  	[sflag:s0] =	ssyncadd.s32 @!p0 s1  }
0x2d3: {  	[bflag:$0x3] =	sbarrier.arrive $0xFFFF  }
0x2d4: {  	_ =	shalt  }

</sc_bundles>
